<compile_context>
chip_gen: v7x
topology: tpu7x:2x2x1
jax: 0.10.2.dev20260603
libtpu: 0.0.44.dev20260713+nightly
codegen_flags: <defaults>
</compile_context>

<pallas_src>
import functools
import math

import jax
import jax.numpy as jnp
from jax import lax
from jax.experimental import pallas as pl
from jax.experimental.pallas import tpu as pltpu
from jax.experimental.pallas import tpu_sc as plsc

_E = 160000
_N = 10000
_D = 256
_H = 4
_DK = 64
_TEMP = 1.0 / math.sqrt(_DK)

_BE = 640
_GRID = _E // _BE

_NTILES = 32
_EPAD = 163840
_CHUNK = _EPAD // _NTILES
_BATCH = 128
_NB = _CHUNK // _BATCH
_SUB = 1024
_NSUB = _CHUNK // _SUB
_NVEC = _SUB // 16
_NPAD = 10240
_STRIPE = _NPAD // 16


def _dense_body(ego_ref, rel_ref, wq_ref, wk_ref, wb_ref, seg_ref,
                gq_ref, bq_ref, gk_ref, bk_ref, out_ref):
    eg = ego_ref[...]
    m = jnp.mean(eg, axis=1, keepdims=True)
    v = jnp.mean((eg - m) ** 2, axis=1, keepdims=True)
    egn = (eg - m) * lax.rsqrt(v + 1e-5) * gq_ref[...] + bq_ref[...]
    rl = rel_ref[...]
    m2 = jnp.mean(rl, axis=1, keepdims=True)
    v2 = jnp.mean((rl - m2) ** 2, axis=1, keepdims=True)
    rln = (rl - m2) * lax.rsqrt(v2 + 1e-5) * gk_ref[...] + bk_ref[...]
    q = jnp.dot(egn, wq_ref[...], preferred_element_type=jnp.float32)
    k = jnp.dot(rln, wk_ref[...], preferred_element_type=jnp.float32)
    qk = q * k
    logits = jnp.dot(qk, seg_ref[...], preferred_element_type=jnp.float32)
    logits = logits + jnp.dot(rln, wb_ref[...], preferred_element_type=jnp.float32)
    lane = lax.broadcasted_iota(jnp.int32, (_BE, 16), 1)
    out_ref[...] = jnp.where(lane < _H, jnp.exp(logits), 0.0)


def _dense(ego, rel, wq, wk, wb16, seg, gq, bq, gk, bk):
    full = lambda shape: pl.BlockSpec(shape, lambda i: (0, 0))
    return pl.pallas_call(
        _dense_body,
        grid=(_GRID,),
        in_specs=[
            pl.BlockSpec((_BE, _D), lambda i: (i, 0)),
            pl.BlockSpec((_BE, _D), lambda i: (i, 0)),
            full((_D, _D)), full((_D, _D)), full((_D, 16)), full((_D, 16)),
            full((1, _D)), full((1, _D)), full((1, _D)), full((1, _D)),
        ],
        out_specs=pl.BlockSpec((_BE, 16), lambda i: (i, 0)),
        out_shape=jax.ShapeDtypeStruct((_E, 16), jnp.float32),
    )(ego, rel, wq, wk, wb16, seg, gq, bq, gk, bk)


_MESH = plsc.VectorSubcoreMesh(core_axis_name="c", subcore_axis_name="s")
_SC_PARAMS = pltpu.CompilerParams(needs_layout_passes=False)


_DLEN = _NPAD * _H
_STRW = _DLEN // _NTILES


@functools.partial(
    pl.kernel,
    mesh=_MESH,
    out_type=jax.ShapeDtypeStruct((_NTILES, _DLEN), jnp.float32),
    compiler_params=_SC_PARAMS,
    scratch_types=[
        pltpu.VMEM((_SUB,), jnp.int32),
        pltpu.VMEM((_SUB * 16,), jnp.float32),
        pltpu.VMEM((_DLEN,), jnp.float32),
    ],
)
def _scatter(wf_hbm, idx_hbm, out_hbm, idx_v, w_v, acc_v):
    c = lax.axis_index("c")
    s = lax.axis_index("s")
    tid = s * 2 + c
    base = tid * _CHUNK

    def zero(i, carry):
        acc_v[pl.ds(i * 16, 16)] = jnp.zeros((16,), jnp.float32)
        return carry

    lax.fori_loop(0, _DLEN // 16, zero, 0)

    def sub(b, carry):
        off = base + b * _SUB
        pltpu.sync_copy(idx_hbm.at[pl.ds(off, _SUB)], idx_v)
        pltpu.sync_copy(wf_hbm.at[pl.ds(off * 16, _SUB * 16)], w_v)

        def vec(vi, carry2):
            idx16 = idx_v[pl.ds(vi * 16, 16)]
            row16 = lax.iota(jnp.int32, 16) + vi * 16
            for h in range(_H):
                wv = plsc.load_gather(w_v, [row16 * 16 + h])
                plsc.addupdate_scatter(acc_v, [idx16 * _H + h], wv)
            return carry2

        lax.fori_loop(0, _NVEC, vec, 0)
        return carry

    lax.fori_loop(0, _NSUB, sub, 0)
    pltpu.sync_copy(acc_v, out_hbm.at[tid])


@functools.partial(
    pl.kernel,
    mesh=_MESH,
    out_type=jax.ShapeDtypeStruct((_DLEN,), jnp.float32),
    compiler_params=_SC_PARAMS,
    scratch_types=[
        pltpu.VMEM((_NTILES, _STRW), jnp.float32),
        pltpu.VMEM((_STRW,), jnp.float32),
    ],
)
def _reduce(part_hbm, out_hbm, tmp_v, acc_v):
    c = lax.axis_index("c")
    s = lax.axis_index("s")
    tid = s * 2 + c
    col = tid * _STRW
    pltpu.sync_copy(part_hbm.at[:, pl.ds(col, _STRW)], tmp_v)

    def add(i, carry):
        sl = pl.ds(i * 16, 16)
        v = tmp_v[0, sl]
        for j in range(1, _NTILES):
            v = v + tmp_v[j, sl]
        acc_v[sl] = v
        return carry

    lax.fori_loop(0, _STRW // 16, add, 0)
    pltpu.sync_copy(acc_v, out_hbm.at[pl.ds(col, _STRW)])


@functools.partial(
    pl.kernel,
    mesh=_MESH,
    out_type=jax.ShapeDtypeStruct((_EPAD,), jnp.float32),
    compiler_params=_SC_PARAMS,
    scratch_types=[
        pltpu.VMEM((_DLEN,), jnp.float32),
        pltpu.VMEM((_SUB * 16,), jnp.float32),
        pltpu.VMEM((_SUB,), jnp.int32),
        pltpu.VMEM((_SUB,), jnp.float32),
    ],
)
def _gather(wf_hbm, idx_hbm, d_hbm, out_hbm, d_v, w_v, idx_v, out_v):
    c = lax.axis_index("c")
    s = lax.axis_index("s")
    tid = s * 2 + c
    base = tid * _CHUNK
    pltpu.sync_copy(d_hbm, d_v)

    def sub(b, carry):
        off = base + b * _SUB
        pltpu.sync_copy(idx_hbm.at[pl.ds(off, _SUB)], idx_v)
        pltpu.sync_copy(wf_hbm.at[pl.ds(off * 16, _SUB * 16)], w_v)

        def vec(vi, carry2):
            idx16 = idx_v[pl.ds(vi * 16, 16)]
            row16 = lax.iota(jnp.int32, 16) + vi * 16
            acc = jnp.zeros((16,), jnp.float32)
            for h in range(_H):
                wv = plsc.load_gather(w_v, [row16 * 16 + h])
                dv = plsc.load_gather(d_v, [idx16 * _H + h])
                acc = acc + wv / (dv + 1e-6)
            out_v[pl.ds(vi * 16, 16)] = acc * (1.0 / _H)
            return carry2

        lax.fori_loop(0, _NVEC, vec, 0)
        pltpu.sync_copy(out_v, out_hbm.at[pl.ds(off, _SUB)])
        return carry

    lax.fori_loop(0, _NSUB, sub, 0)


def kernel(ego_feat_pairs, rel_feat_pairs, ego_idx, num_ego,
           Wq, Wk, Wb, gq, bq, gk, bk):
    f32 = jnp.float32
    wb16 = jnp.concatenate([Wb.astype(f32), jnp.zeros((_D, 16 - _H), f32)], axis=1)
    d_iota = lax.broadcasted_iota(jnp.int32, (_D, 16), 0)
    h_iota = lax.broadcasted_iota(jnp.int32, (_D, 16), 1)
    seg = jnp.where((d_iota // _DK == h_iota) & (h_iota < _H), _TEMP, 0.0).astype(f32)

    w16 = _dense(ego_feat_pairs, rel_feat_pairs, Wq, Wk, wb16, seg,
                 gq.reshape(1, _D), bq.reshape(1, _D),
                 gk.reshape(1, _D), bk.reshape(1, _D))

    w16p = jnp.concatenate([w16, jnp.zeros((_EPAD - _E, 16), f32)], axis=0)
    idxp = jnp.concatenate(
        [ego_idx.astype(jnp.int32), jnp.zeros((_EPAD - _E,), jnp.int32)])
    wf = w16p.reshape(-1)

    partials = _scatter(wf, idxp)
    denf = _reduce(partials)
    alphap = _gather(wf, idxp, denf)
    return alphap[:_E, None]

# --- scband reference (transcript-rebuilt; emitter-appended) ---
"""Pipeline reference for scband-neighbor-attention-77584289235258 (READ-ONLY COPY).

The authoritative reference and input builder live on the scoring server;
editing this copy changes nothing except your own understanding.
"""

import math
import jax, jax.numpy as jnp
import numpy as np

E = 160000
N = 10000
EGO_DIM = 256
REL_DIM = 256
HEADS = 4
DK = 64
TEMP = 1.0 / math.sqrt(DK)


def layernorm(x, g, b, eps=1e-5):
    m = jnp.mean(x, axis=-1, keepdims=True)
    v = jnp.var(x, axis=-1, keepdims=True)
    return (x - m) / jnp.sqrt(v + eps) * g + b


def setup_inputs(seed: int = 0) -> dict:
    key = jax.random.key(seed)
    ks = jax.random.split(key, 10)
    ego_feat_pairs = jax.random.normal(ks[0], (E, EGO_DIM), dtype=jnp.float32)
    rel_feat_pairs = jax.random.normal(ks[1], (E, REL_DIM), dtype=jnp.float32)
    ego_idx = jnp.sort(jax.random.randint(ks[2], (E,), 0, N, dtype=jnp.int32))
    Wq = jax.random.normal(ks[3], (EGO_DIM, HEADS * DK), dtype=jnp.float32) / math.sqrt(EGO_DIM)
    Wk = jax.random.normal(ks[4], (REL_DIM, HEADS * DK), dtype=jnp.float32) / math.sqrt(REL_DIM)
    Wb = jax.random.normal(ks[5], (REL_DIM, HEADS), dtype=jnp.float32) / math.sqrt(REL_DIM)
    gq = jnp.ones((EGO_DIM,), dtype=jnp.float32)
    bq = jnp.zeros((EGO_DIM,), dtype=jnp.float32)
    gk = jnp.ones((REL_DIM,), dtype=jnp.float32)
    bk = jnp.zeros((REL_DIM,), dtype=jnp.float32)
    return {
        "ego_feat_pairs": ego_feat_pairs,
        "rel_feat_pairs": rel_feat_pairs,
        "ego_idx": ego_idx,
        "num_ego": N,
        "Wq": Wq,
        "Wk": Wk,
        "Wb": Wb,
        "gq": gq,
        "bq": bq,
        "gk": gk,
        "bk": bk,
    }


def reference(ego_feat_pairs, rel_feat_pairs, ego_idx, num_ego, Wq, Wk, Wb, gq, bq, gk, bk):
    Eloc = ego_feat_pairs.shape[0]
    ego_n = layernorm(ego_feat_pairs, gq, bq)
    rel_n = layernorm(rel_feat_pairs, gk, bk)
    q = (ego_n @ Wq).reshape(Eloc, HEADS, DK)
    k = (rel_n @ Wk).reshape(Eloc, HEADS, DK)
    logits = jnp.sum(q * k, axis=-1) * TEMP  # [E, H]
    logits = logits + rel_n @ Wb  # bias from relation features
    logits = logits + (jnp.asarray(num_ego) * 0).astype(logits.dtype)
    max_per_ego = jax.ops.segment_max(logits, ego_idx, num_segments=N)
    logits = logits - max_per_ego[ego_idx]
    w = jnp.exp(logits)
    denom = jax.ops.segment_sum(w, ego_idx, num_segments=N)
    alpha = w / (denom[ego_idx] + 1e-06)
    alpha = jnp.mean(alpha, axis=-1, keepdims=True)
    return alpha

if __name__ == "__main__":
    import jax
    _d = setup_inputs()
    print(jax.jit(kernel)(*tuple(_d.values())))

</pallas_src>

<mosaic_0001>
#map = affine_map<(d0, d1) -> (0, 0)>
#map1 = affine_map<(d0, d1) -> (0)>
module attributes {stable_mosaic.version = 14 : i64} {
  func.func @_reduce(%arg0: i32, %arg1: i32, %arg2: memref<32x40960xf32, #tpu.memory_space<hbm>>, %arg3: memref<40960xf32, #tpu.memory_space<hbm>>, %arg4: memref<32x1280xf32, #tpu.memory_space<vmem>>, %arg5: memref<1280xf32, #tpu.memory_space<vmem>>) attributes {dimension_semantics = [#tpu.dimension_semantics<core_parallel>, #tpu.dimension_semantics<subcore_parallel>], iteration_bounds = array<i64: 2, 16>, scalar_prefetch = 0 : i64, scratch_operands = 2 : i64, tpu.core_type = #tpu.core_type<sc_vector_subcore>, window_params = [{transform_indices = #map}, {transform_indices = #map1}]} {
    %mul3A = arith.constant 2 : i32
    %mul3A_0 = arith.muli %arg1, %mul3A : i32
    %add3A = arith.addi %mul3A_0, %arg0 : i32
    %mul3A_1 = arith.constant 1280 : i32
    %mul3A_2 = arith.muli %add3A, %mul3A_1 : i32
    "tpu.region"() ({
      %run_scoped3A = tpu.sem_alloc : memref<!tpu.dma_semaphore, #tpu.memory_space<semaphore_mem>>
      %dma_start3A = arith.constant 0 : i32
      %dma_start3A_8 = tpu.memref_slice %arg2[%dma_start3A, %mul3A_2] : memref<32x40960xf32, #tpu.memory_space<hbm>> -> memref<32x1280xf32, #tpu.memory_space<hbm>>
      %dma_start3A_9 = arith.constant 0 : i32
      %dma_start3A_10 = tpu.memref_slice %arg2[%dma_start3A_9, %mul3A_2] : memref<32x40960xf32, #tpu.memory_space<hbm>> -> memref<32x1280xf32, #tpu.memory_space<hbm>>
      tpu.enqueue_dma source(%dma_start3A_10 : memref<32x1280xf32, #tpu.memory_space<hbm>>) target(%arg4 : memref<32x1280xf32, #tpu.memory_space<vmem>>) target_semaphore(%run_scoped3A : memref<!tpu.dma_semaphore, #tpu.memory_space<semaphore_mem>>)
      %dma_wait3A = arith.constant 0 : i32
      %dma_wait3A_11 = tpu.memref_slice %arg2[%dma_wait3A, %mul3A_2] : memref<32x40960xf32, #tpu.memory_space<hbm>> -> memref<32x1280xf32, #tpu.memory_space<hbm>>
      %dma_wait3A_12 = arith.constant 0 : i32
      %dma_wait3A_13 = tpu.memref_slice %arg2[%dma_wait3A_12, %mul3A_2] : memref<32x40960xf32, #tpu.memory_space<hbm>> -> memref<32x1280xf32, #tpu.memory_space<hbm>>
      tpu.wait_dma2 semaphore(%run_scoped3A : memref<!tpu.dma_semaphore, #tpu.memory_space<semaphore_mem>>) src(%dma_wait3A_13 : memref<32x1280xf32, #tpu.memory_space<hbm>>) dst(%arg4 : memref<32x1280xf32, #tpu.memory_space<vmem>>)
      tpu.yield
    }) : () -> ()
    %scan3A = arith.constant 0 : i32
    %scan3A_3 = arith.constant 0 : i32
    %scan3A_4 = arith.constant 80 : i32
    %scan3A_5 = arith.addi %scan3A_3, %scan3A_4 : i32
    %scan3A_6 = arith.constant 1 : i32
    scf.for %scan3A_8 = %scan3A_3 to %scan3A_5 step %scan3A_6  : i32 {
      %mul3A_9 = arith.constant 16 : i32
      %mul3A_10 = arith.muli %scan3A_8, %mul3A_9 : i32
      %get3A = arith.constant 0 : i32
      %get3A_11 = arith.index_cast %get3A : i32 to index
      %get3A_12 = arith.index_cast %mul3A_10 : i32 to index
      %get3A_13 = tpu.vector_load %arg4[%get3A_11, %get3A_12] {strides = array<i32>} : memref<32x1280xf32, #tpu.memory_space<vmem>>, vector<16xf32>,
      %get3A_14 = arith.constant 1 : i32
      %get3A_15 = arith.index_cast %get3A_14 : i32 to index
      %get3A_16 = arith.index_cast %mul3A_10 : i32 to index
      %get3A_17 = tpu.vector_load %arg4[%get3A_15, %get3A_16] {strides = array<i32>} : memref<32x1280xf32, #tpu.memory_space<vmem>>, vector<16xf32>,
      %add3A_18 = arith.addf %get3A_13, %get3A_17 : vector<16xf32>
      %get3A_19 = arith.constant 2 : i32
      %get3A_20 = arith.index_cast %get3A_19 : i32 to index
      %get3A_21 = arith.index_cast %mul3A_10 : i32 to index
      %get3A_22 = tpu.vector_load %arg4[%get3A_20, %get3A_21] {strides = array<i32>} : memref<32x1280xf32, #tpu.memory_space<vmem>>, vector<16xf32>,
      %add3A_23 = arith.addf %add3A_18, %get3A_22 : vector<16xf32>
      %get3A_24 = arith.constant 3 : i32
      %get3A_25 = arith.index_cast %get3A_24 : i32 to index
      %get3A_26 = arith.index_cast %mul3A_10 : i32 to index
      %get3A_27 = tpu.vector_load %arg4[%get3A_25, %get3A_26] {strides = array<i32>} : memref<32x1280xf32, #tpu.memory_space<vmem>>, vector<16xf32>,
      %add3A_28 = arith.addf %add3A_23, %get3A_27 : vector<16xf32>
      %get3A_29 = arith.constant 4 : i32
      %get3A_30 = arith.index_cast %get3A_29 : i32 to index
      %get3A_31 = arith.index_cast %mul3A_10 : i32 to index
      %get3A_32 = tpu.vector_load %arg4[%get3A_30, %get3A_31] {strides = array<i32>} : memref<32x1280xf32, #tpu.memory_space<vmem>>, vector<16xf32>,
      %add3A_33 = arith.addf %add3A_28, %get3A_32 : vector<16xf32>
      %get3A_34 = arith.constant 5 : i32
      %get3A_35 = arith.index_cast %get3A_34 : i32 to index
      %get3A_36 = arith.index_cast %mul3A_10 : i32 to index
      %get3A_37 = tpu.vector_load %arg4[%get3A_35, %get3A_36] {strides = array<i32>} : memref<32x1280xf32, #tpu.memory_space<vmem>>, vector<16xf32>,
      %add3A_38 = arith.addf %add3A_33, %get3A_37 : vector<16xf32>
      %get3A_39 = arith.constant 6 : i32
      %get3A_40 = arith.index_cast %get3A_39 : i32 to index
      %get3A_41 = arith.index_cast %mul3A_10 : i32 to index
      %get3A_42 = tpu.vector_load %arg4[%get3A_40, %get3A_41] {strides = array<i32>} : memref<32x1280xf32, #tpu.memory_space<vmem>>, vector<16xf32>,
      %add3A_43 = arith.addf %add3A_38, %get3A_42 : vector<16xf32>
      %get3A_44 = arith.constant 7 : i32
      %get3A_45 = arith.index_cast %get3A_44 : i32 to index
      %get3A_46 = arith.index_cast %mul3A_10 : i32 to index
      %get3A_47 = tpu.vector_load %arg4[%get3A_45, %get3A_46] {strides = array<i32>} : memref<32x1280xf32, #tpu.memory_space<vmem>>, vector<16xf32>,
      %add3A_48 = arith.addf %add3A_43, %get3A_47 : vector<16xf32>
      %get3A_49 = arith.constant 8 : i32
      %get3A_50 = arith.index_cast %get3A_49 : i32 to index
      %get3A_51 = arith.index_cast %mul3A_10 : i32 to index
      %get3A_52 = tpu.vector_load %arg4[%get3A_50, %get3A_51] {strides = array<i32>} : memref<32x1280xf32, #tpu.memory_space<vmem>>, vector<16xf32>,
      %add3A_53 = arith.addf %add3A_48, %get3A_52 : vector<16xf32>
      %get3A_54 = arith.constant 9 : i32
      %get3A_55 = arith.index_cast %get3A_54 : i32 to index
      %get3A_56 = arith.index_cast %mul3A_10 : i32 to index
      %get3A_57 = tpu.vector_load %arg4[%get3A_55, %get3A_56] {strides = array<i32>} : memref<32x1280xf32, #tpu.memory_space<vmem>>, vector<16xf32>,
      %add3A_58 = arith.addf %add3A_53, %get3A_57 : vector<16xf32>
      %get3A_59 = arith.constant 10 : i32
      %get3A_60 = arith.index_cast %get3A_59 : i32 to index
      %get3A_61 = arith.index_cast %mul3A_10 : i32 to index
      %get3A_62 = tpu.vector_load %arg4[%get3A_60, %get3A_61] {strides = array<i32>} : memref<32x1280xf32, #tpu.memory_space<vmem>>, vector<16xf32>,
      %add3A_63 = arith.addf %add3A_58, %get3A_62 : vector<16xf32>
      %get3A_64 = arith.constant 11 : i32
      %get3A_65 = arith.index_cast %get3A_64 : i32 to index
      %get3A_66 = arith.index_cast %mul3A_10 : i32 to index
      %get3A_67 = tpu.vector_load %arg4[%get3A_65, %get3A_66] {strides = array<i32>} : memref<32x1280xf32, #tpu.memory_space<vmem>>, vector<16xf32>,
      %add3A_68 = arith.addf %add3A_63, %get3A_67 : vector<16xf32>
      %get3A_69 = arith.constant 12 : i32
      %get3A_70 = arith.index_cast %get3A_69 : i32 to index
      %get3A_71 = arith.index_cast %mul3A_10 : i32 to index
      %get3A_72 = tpu.vector_load %arg4[%get3A_70, %get3A_71] {strides = array<i32>} : memref<32x1280xf32, #tpu.memory_space<vmem>>, vector<16xf32>,
      %add3A_73 = arith.addf %add3A_68, %get3A_72 : vector<16xf32>
      %get3A_74 = arith.constant 13 : i32
      %get3A_75 = arith.index_cast %get3A_74 : i32 to index
      %get3A_76 = arith.index_cast %mul3A_10 : i32 to index
      %get3A_77 = tpu.vector_load %arg4[%get3A_75, %get3A_76] {strides = array<i32>} : memref<32x1280xf32, #tpu.memory_space<vmem>>, vector<16xf32>,
      %add3A_78 = arith.addf %add3A_73, %get3A_77 : vector<16xf32>
      %get3A_79 = arith.constant 14 : i32
      %get3A_80 = arith.index_cast %get3A_79 : i32 to index
      %get3A_81 = arith.index_cast %mul3A_10 : i32 to index
      %get3A_82 = tpu.vector_load %arg4[%get3A_80, %get3A_81] {strides = array<i32>} : memref<32x1280xf32, #tpu.memory_space<vmem>>, vector<16xf32>,
      %add3A_83 = arith.addf %add3A_78, %get3A_82 : vector<16xf32>
      %get3A_84 = arith.constant 15 : i32
      %get3A_85 = arith.index_cast %get3A_84 : i32 to index
      %get3A_86 = arith.index_cast %mul3A_10 : i32 to index
      %get3A_87 = tpu.vector_load %arg4[%get3A_85, %get3A_86] {strides = array<i32>} : memref<32x1280xf32, #tpu.memory_space<vmem>>, vector<16xf32>,
      %add3A_88 = arith.addf %add3A_83, %get3A_87 : vector<16xf32>
      %get3A_89 = arith.constant 16 : i32
      %get3A_90 = arith.index_cast %get3A_89 : i32 to index
      %get3A_91 = arith.index_cast %mul3A_10 : i32 to index
      %get3A_92 = tpu.vector_load %arg4[%get3A_90, %get3A_91] {strides = array<i32>} : memref<32x1280xf32, #tpu.memory_space<vmem>>, vector<16xf32>,
      %add3A_93 = arith.addf %add3A_88, %get3A_92 : vector<16xf32>
      %get3A_94 = arith.constant 17 : i32
      %get3A_95 = arith.index_cast %get3A_94 : i32 to index
      %get3A_96 = arith.index_cast %mul3A_10 : i32 to index
      %get3A_97 = tpu.vector_load %arg4[%get3A_95, %get3A_96] {strides = array<i32>} : memref<32x1280xf32, #tpu.memory_space<vmem>>, vector<16xf32>,
      %add3A_98 = arith.addf %add3A_93, %get3A_97 : vector<16xf32>
      %get3A_99 = arith.constant 18 : i32
      %get3A_100 = arith.index_cast %get3A_99 : i32 to index
      %get3A_101 = arith.index_cast %mul3A_10 : i32 to index
      %get3A_102 = tpu.vector_load %arg4[%get3A_100, %get3A_101] {strides = array<i32>} : memref<32x1280xf32, #tpu.memory_space<vmem>>, vector<16xf32>,
      %add3A_103 = arith.addf %add3A_98, %get3A_102 : vector<16xf32>
      %get3A_104 = arith.constant 19 : i32
      %get3A_105 = arith.index_cast %get3A_104 : i32 to index
      %get3A_106 = arith.index_cast %mul3A_10 : i32 to index
      %get3A_107 = tpu.vector_load %arg4[%get3A_105, %get3A_106] {strides = array<i32>} : memref<32x1280xf32, #tpu.memory_space<vmem>>, vector<16xf32>,
      %add3A_108 = arith.addf %add3A_103, %get3A_107 : vector<16xf32>
      %get3A_109 = arith.constant 20 : i32
      %get3A_110 = arith.index_cast %get3A_109 : i32 to index
      %get3A_111 = arith.index_cast %mul3A_10 : i32 to index
      %get3A_112 = tpu.vector_load %arg4[%get3A_110, %get3A_111] {strides = array<i32>} : memref<32x1280xf32, #tpu.memory_space<vmem>>, vector<16xf32>,
      %add3A_113 = arith.addf %add3A_108, %get3A_112 : vector<16xf32>
      %get3A_114 = arith.constant 21 : i32
      %get3A_115 = arith.index_cast %get3A_114 : i32 to index
      %get3A_116 = arith.index_cast %mul3A_10 : i32 to index
      %get3A_117 = tpu.vector_load %arg4[%get3A_115, %get3A_116] {strides = array<i32>} : memref<32x1280xf32, #tpu.memory_space<vmem>>, vector<16xf32>,
      %add3A_118 = arith.addf %add3A_113, %get3A_117 : vector<16xf32>
      %get3A_119 = arith.constant 22 : i32
      %get3A_120 = arith.index_cast %get3A_119 : i32 to index
      %get3A_121 = arith.index_cast %mul3A_10 : i32 to index
      %get3A_122 = tpu.vector_load %arg4[%get3A_120, %get3A_121] {strides = array<i32>} : memref<32x1280xf32, #tpu.memory_space<vmem>>, vector<16xf32>,
      %add3A_123 = arith.addf %add3A_118, %get3A_122 : vector<16xf32>
      %get3A_124 = arith.constant 23 : i32
      %get3A_125 = arith.index_cast %get3A_124 : i32 to index
      %get3A_126 = arith.index_cast %mul3A_10 : i32 to index
      %get3A_127 = tpu.vector_load %arg4[%get3A_125, %get3A_126] {strides = array<i32>} : memref<32x1280xf32, #tpu.memory_space<vmem>>, vector<16xf32>,
      %add3A_128 = arith.addf %add3A_123, %get3A_127 : vector<16xf32>
      %get3A_129 = arith.constant 24 : i32
      %get3A_130 = arith.index_cast %get3A_129 : i32 to index
      %get3A_131 = arith.index_cast %mul3A_10 : i32 to index
      %get3A_132 = tpu.vector_load %arg4[%get3A_130, %get3A_131] {strides = array<i32>} : memref<32x1280xf32, #tpu.memory_space<vmem>>, vector<16xf32>,
      %add3A_133 = arith.addf %add3A_128, %get3A_132 : vector<16xf32>
      %get3A_134 = arith.constant 25 : i32
      %get3A_135 = arith.index_cast %get3A_134 : i32 to index
      %get3A_136 = arith.index_cast %mul3A_10 : i32 to index
      %get3A_137 = tpu.vector_load %arg4[%get3A_135, %get3A_136] {strides = array<i32>} : memref<32x1280xf32, #tpu.memory_space<vmem>>, vector<16xf32>,
      %add3A_138 = arith.addf %add3A_133, %get3A_137 : vector<16xf32>
      %get3A_139 = arith.constant 26 : i32
      %get3A_140 = arith.index_cast %get3A_139 : i32 to index
      %get3A_141 = arith.index_cast %mul3A_10 : i32 to index
      %get3A_142 = tpu.vector_load %arg4[%get3A_140, %get3A_141] {strides = array<i32>} : memref<32x1280xf32, #tpu.memory_space<vmem>>, vector<16xf32>,
      %add3A_143 = arith.addf %add3A_138, %get3A_142 : vector<16xf32>
      %get3A_144 = arith.constant 27 : i32
      %get3A_145 = arith.index_cast %get3A_144 : i32 to index
      %get3A_146 = arith.index_cast %mul3A_10 : i32 to index
      %get3A_147 = tpu.vector_load %arg4[%get3A_145, %get3A_146] {strides = array<i32>} : memref<32x1280xf32, #tpu.memory_space<vmem>>, vector<16xf32>,
      %add3A_148 = arith.addf %add3A_143, %get3A_147 : vector<16xf32>
      %get3A_149 = arith.constant 28 : i32
      %get3A_150 = arith.index_cast %get3A_149 : i32 to index
      %get3A_151 = arith.index_cast %mul3A_10 : i32 to index
      %get3A_152 = tpu.vector_load %arg4[%get3A_150, %get3A_151] {strides = array<i32>} : memref<32x1280xf32, #tpu.memory_space<vmem>>, vector<16xf32>,
      %add3A_153 = arith.addf %add3A_148, %get3A_152 : vector<16xf32>
      %get3A_154 = arith.constant 29 : i32
      %get3A_155 = arith.index_cast %get3A_154 : i32 to index
      %get3A_156 = arith.index_cast %mul3A_10 : i32 to index
      %get3A_157 = tpu.vector_load %arg4[%get3A_155, %get3A_156] {strides = array<i32>} : memref<32x1280xf32, #tpu.memory_space<vmem>>, vector<16xf32>,
      %add3A_158 = arith.addf %add3A_153, %get3A_157 : vector<16xf32>
      %get3A_159 = arith.constant 30 : i32
      %get3A_160 = arith.index_cast %get3A_159 : i32 to index
      %get3A_161 = arith.index_cast %mul3A_10 : i32 to index
      %get3A_162 = tpu.vector_load %arg4[%get3A_160, %get3A_161] {strides = array<i32>} : memref<32x1280xf32, #tpu.memory_space<vmem>>, vector<16xf32>,
      %add3A_163 = arith.addf %add3A_158, %get3A_162 : vector<16xf32>
      %get3A_164 = arith.constant 31 : i32
      %get3A_165 = arith.index_cast %get3A_164 : i32 to index
      %get3A_166 = arith.index_cast %mul3A_10 : i32 to index
      %get3A_167 = tpu.vector_load %arg4[%get3A_165, %get3A_166] {strides = array<i32>} : memref<32x1280xf32, #tpu.memory_space<vmem>>, vector<16xf32>,
      %add3A_168 = arith.addf %add3A_163, %get3A_167 : vector<16xf32>
      %swap3A = arith.index_cast %mul3A_10 : i32 to index
      %swap3A_169 = tpu.vector_load %arg5[%swap3A] {strides = array<i32>} : memref<1280xf32, #tpu.memory_space<vmem>>, vector<16xf32>,
      tpu.vector_store %arg5[%swap3A], %add3A_168 {strides = array<i32>} : memref<1280xf32, #tpu.memory_space<vmem>>, vector<16xf32>,
    }
    %scan3A_7 = arith.constant 80 : i32
    "tpu.region"() ({
      %run_scoped3A = tpu.sem_alloc : memref<!tpu.dma_semaphore, #tpu.memory_space<semaphore_mem>>
      %dma_start3A = tpu.memref_slice %arg3[%mul3A_2] : memref<40960xf32, #tpu.memory_space<hbm>> -> memref<1280xf32, #tpu.memory_space<hbm>>
      %dma_start3A_8 = tpu.memref_slice %arg3[%mul3A_2] : memref<40960xf32, #tpu.memory_space<hbm>> -> memref<1280xf32, #tpu.memory_space<hbm>>
      tpu.enqueue_dma source(%arg5 : memref<1280xf32, #tpu.memory_space<vmem>>) target(%dma_start3A_8 : memref<1280xf32, #tpu.memory_space<hbm>>) target_semaphore(%run_scoped3A : memref<!tpu.dma_semaphore, #tpu.memory_space<semaphore_mem>>)
      %dma_wait3A = tpu.memref_slice %arg3[%mul3A_2] : memref<40960xf32, #tpu.memory_space<hbm>> -> memref<1280xf32, #tpu.memory_space<hbm>>
      %dma_wait3A_9 = tpu.memref_slice %arg3[%mul3A_2] : memref<40960xf32, #tpu.memory_space<hbm>> -> memref<1280xf32, #tpu.memory_space<hbm>>
      tpu.wait_dma2 semaphore(%run_scoped3A : memref<!tpu.dma_semaphore, #tpu.memory_space<semaphore_mem>>) src(%arg5 : memref<1280xf32, #tpu.memory_space<vmem>>) dst(%dma_wait3A_9 : memref<1280xf32, #tpu.memory_space<hbm>>)
      tpu.yield
    }) : () -> ()
    return
  }
}

#map = affine_map<(d0, d1) -> (0)>
#map1 = affine_map<(d0, d1) -> (0, 0)>
module attributes {stable_mosaic.version = 14 : i64} {
  func.func @_scatter(%arg0: i32, %arg1: i32, %arg2: memref<2621440xf32, #tpu.memory_space<hbm>>, %arg3: memref<163840xi32, #tpu.memory_space<hbm>>, %arg4: memref<32x40960xf32, #tpu.memory_space<hbm>>, %arg5: memref<1024xi32, #tpu.memory_space<vmem>>, %arg6: memref<16384xf32, #tpu.memory_space<vmem>>, %arg7: memref<40960xf32, #tpu.memory_space<vmem>>) attributes {dimension_semantics = [#tpu.dimension_semantics<core_parallel>, #tpu.dimension_semantics<subcore_parallel>], iteration_bounds = array<i64: 2, 16>, scalar_prefetch = 0 : i64, scratch_operands = 3 : i64, tpu.core_type = #tpu.core_type<sc_vector_subcore>, window_params = [{transform_indices = #map}, {transform_indices = #map}, {transform_indices = #map1}]} {
    %mul3A = arith.constant 2 : i32
    %mul3A_0 = arith.muli %arg1, %mul3A : i32
    %add3A = arith.addi %mul3A_0, %arg0 : i32
    %mul3A_1 = arith.constant 5120 : i32
    %mul3A_2 = arith.muli %add3A, %mul3A_1 : i32
    %scan3A = arith.constant 0 : i32
    %scan3A_3 = arith.constant 0 : i32
    %scan3A_4 = arith.constant 2560 : i32
    %scan3A_5 = arith.addi %scan3A_3, %scan3A_4 : i32
    %scan3A_6 = arith.constant 1 : i32
    scf.for %scan3A_14 = %scan3A_3 to %scan3A_5 step %scan3A_6  : i32 {
      %broadcast_in_dim3A = arith.constant 0.000000e+00 : f32
      %broadcast_in_dim3A_15 = vector.broadcast %broadcast_in_dim3A : f32 to vector<16xf32>
      %mul3A_16 = arith.constant 16 : i32
      %mul3A_17 = arith.muli %scan3A_14, %mul3A_16 : i32
      %swap3A = arith.index_cast %mul3A_17 : i32 to index
      %swap3A_18 = tpu.vector_load %arg7[%swap3A] {strides = array<i32>} : memref<40960xf32, #tpu.memory_space<vmem>>, vector<16xf32>,
      tpu.vector_store %arg7[%swap3A], %broadcast_in_dim3A_15 {strides = array<i32>} : memref<40960xf32, #tpu.memory_space<vmem>>, vector<16xf32>,
    }
    %scan3A_7 = arith.constant 2560 : i32
    %scan3A_8 = arith.constant 0 : i32
    %scan3A_9 = arith.constant 0 : i32
    %scan3A_10 = arith.constant 5 : i32
    %scan3A_11 = arith.addi %scan3A_9, %scan3A_10 : i32
    %scan3A_12 = arith.constant 1 : i32
    scf.for %scan3A_14 = %scan3A_9 to %scan3A_11 step %scan3A_12  : i32 {
      %mul3A_15 = arith.constant 1024 : i32
      %mul3A_16 = arith.muli %scan3A_14, %mul3A_15 : i32
      %add3A_17 = arith.addi %mul3A_2, %mul3A_16 : i32
      "tpu.region"() ({
        %run_scoped3A = tpu.sem_alloc : memref<!tpu.dma_semaphore, #tpu.memory_space<semaphore_mem>>
        %dma_start3A = tpu.memref_slice %arg3[%add3A_17] : memref<163840xi32, #tpu.memory_space<hbm>> -> memref<1024xi32, #tpu.memory_space<hbm>>
        %dma_start3A_26 = tpu.memref_slice %arg3[%add3A_17] : memref<163840xi32, #tpu.memory_space<hbm>> -> memref<1024xi32, #tpu.memory_space<hbm>>
        tpu.enqueue_dma source(%dma_start3A_26 : memref<1024xi32, #tpu.memory_space<hbm>>) target(%arg5 : memref<1024xi32, #tpu.memory_space<vmem>>) target_semaphore(%run_scoped3A : memref<!tpu.dma_semaphore, #tpu.memory_space<semaphore_mem>>)
        %dma_wait3A = tpu.memref_slice %arg3[%add3A_17] : memref<163840xi32, #tpu.memory_space<hbm>> -> memref<1024xi32, #tpu.memory_space<hbm>>
        %dma_wait3A_27 = tpu.memref_slice %arg3[%add3A_17] : memref<163840xi32, #tpu.memory_space<hbm>> -> memref<1024xi32, #tpu.memory_space<hbm>>
        tpu.wait_dma2 semaphore(%run_scoped3A : memref<!tpu.dma_semaphore, #tpu.memory_space<semaphore_mem>>) src(%dma_wait3A_27 : memref<1024xi32, #tpu.memory_space<hbm>>) dst(%arg5 : memref<1024xi32, #tpu.memory_space<vmem>>)
        tpu.yield
      }) : () -> ()
      %mul3A_18 = arith.constant 16 : i32
      %mul3A_19 = arith.muli %add3A_17, %mul3A_18 : i32
      "tpu.region"() ({
        %run_scoped3A = tpu.sem_alloc : memref<!tpu.dma_semaphore, #tpu.memory_space<semaphore_mem>>
        %dma_start3A = tpu.memref_slice %arg2[%mul3A_19] : memref<2621440xf32, #tpu.memory_space<hbm>> -> memref<16384xf32, #tpu.memory_space<hbm>>
        %dma_start3A_26 = tpu.memref_slice %arg2[%mul3A_19] : memref<2621440xf32, #tpu.memory_space<hbm>> -> memref<16384xf32, #tpu.memory_space<hbm>>
        tpu.enqueue_dma source(%dma_start3A_26 : memref<16384xf32, #tpu.memory_space<hbm>>) target(%arg6 : memref<16384xf32, #tpu.memory_space<vmem>>) target_semaphore(%run_scoped3A : memref<!tpu.dma_semaphore, #tpu.memory_space<semaphore_mem>>)
        %dma_wait3A = tpu.memref_slice %arg2[%mul3A_19] : memref<2621440xf32, #tpu.memory_space<hbm>> -> memref<16384xf32, #tpu.memory_space<hbm>>
        %dma_wait3A_27 = tpu.memref_slice %arg2[%mul3A_19] : memref<2621440xf32, #tpu.memory_space<hbm>> -> memref<16384xf32, #tpu.memory_space<hbm>>
        tpu.wait_dma2 semaphore(%run_scoped3A : memref<!tpu.dma_semaphore, #tpu.memory_space<semaphore_mem>>) src(%dma_wait3A_27 : memref<16384xf32, #tpu.memory_space<hbm>>) dst(%arg6 : memref<16384xf32, #tpu.memory_space<vmem>>)
        tpu.yield
      }) : () -> ()
      %scan3A_20 = arith.constant 0 : i32
      %scan3A_21 = arith.constant 0 : i32
      %scan3A_22 = arith.constant 64 : i32
      %scan3A_23 = arith.addi %scan3A_21, %scan3A_22 : i32
      %scan3A_24 = arith.constant 1 : i32
      scf.for %scan3A_26 = %scan3A_21 to %scan3A_23 step %scan3A_24  : i32 {
        %mul3A_27 = arith.constant 16 : i32
        %mul3A_28 = arith.muli %scan3A_26, %mul3A_27 : i32
        %get3A = arith.index_cast %mul3A_28 : i32 to index
        %get3A_29 = tpu.vector_load %arg5[%get3A] {strides = array<i32>} : memref<1024xi32, #tpu.memory_space<vmem>>, vector<16xi32>,
        %iota3A = tpu.iota {dimensions = array<i32: 0>} : vector<16xi32>
        %mul3A_30 = arith.constant 16 : i32
        %mul3A_31 = arith.muli %scan3A_26, %mul3A_30 : i32
        %add3A_32 = vector.broadcast %mul3A_31 : i32 to vector<16xi32>
        %add3A_33 = arith.addi %iota3A, %add3A_32 : vector<16xi32>
        %mul3A_34 = arith.constant 16 : i32
        %mul3A_35 = vector.broadcast %mul3A_34 : i32 to vector<16xi32>
        %mul3A_36 = arith.muli %add3A_33, %mul3A_35 : vector<16xi32>
        %add3A_37 = arith.constant 0 : i32
        %add3A_38 = vector.broadcast %add3A_37 : i32 to vector<16xi32>
        %add3A_39 = arith.addi %mul3A_36, %add3A_38 : vector<16xi32>
        %gather3A = tpu.vector_load_idx %arg6[%add3A_39] : memref<16384xf32, #tpu.memory_space<vmem>>[vector<16xi32>], vector<16xf32>,
        %mul3A_40 = arith.constant 4 : i32
        %mul3A_41 = vector.broadcast %mul3A_40 : i32 to vector<16xi32>
        %mul3A_42 = arith.muli %get3A_29, %mul3A_41 : vector<16xi32>
        %add3A_43 = arith.constant 0 : i32
        %add3A_44 = vector.broadcast %add3A_43 : i32 to vector<16xi32>
        %add3A_45 = arith.addi %mul3A_42, %add3A_44 : vector<16xi32>
        tpu.vector_store_idx %arg7[%add3A_45], %gather3A {add = true} : memref<40960xf32, #tpu.memory_space<vmem>>[vector<16xi32>], vector<16xf32>,
        %mul3A_46 = arith.constant 16 : i32
        %mul3A_47 = vector.broadcast %mul3A_46 : i32 to vector<16xi32>
        %mul3A_48 = arith.muli %add3A_33, %mul3A_47 : vector<16xi32>
        %add3A_49 = arith.constant 1 : i32
        %add3A_50 = vector.broadcast %add3A_49 : i32 to vector<16xi32>
        %add3A_51 = arith.addi %mul3A_48, %add3A_50 : vector<16xi32>
        %gather3A_52 = tpu.vector_load_idx %arg6[%add3A_51] : memref<16384xf32, #tpu.memory_space<vmem>>[vector<16xi32>], vector<16xf32>,
        %mul3A_53 = arith.constant 4 : i32
        %mul3A_54 = vector.broadcast %mul3A_53 : i32 to vector<16xi32>
        %mul3A_55 = arith.muli %get3A_29, %mul3A_54 : vector<16xi32>
        %add3A_56 = arith.constant 1 : i32
        %add3A_57 = vector.broadcast %add3A_56 : i32 to vector<16xi32>
        %add3A_58 = arith.addi %mul3A_55, %add3A_57 : vector<16xi32>
        tpu.vector_store_idx %arg7[%add3A_58], %gather3A_52 {add = true} : memref<40960xf32, #tpu.memory_space<vmem>>[vector<16xi32>], vector<16xf32>,
        %mul3A_59 = arith.constant 16 : i32
        %mul3A_60 = vector.broadcast %mul3A_59 : i32 to vector<16xi32>
        %mul3A_61 = arith.muli %add3A_33, %mul3A_60 : vector<16xi32>
        %add3A_62 = arith.constant 2 : i32
        %add3A_63 = vector.broadcast %add3A_62 : i32 to vector<16xi32>
        %add3A_64 = arith.addi %mul3A_61, %add3A_63 : vector<16xi32>
        %gather3A_65 = tpu.vector_load_idx %arg6[%add3A_64] : memref<16384xf32, #tpu.memory_space<vmem>>[vector<16xi32>], vector<16xf32>,
        %mul3A_66 = arith.constant 4 : i32
        %mul3A_67 = vector.broadcast %mul3A_66 : i32 to vector<16xi32>
        %mul3A_68 = arith.muli %get3A_29, %mul3A_67 : vector<16xi32>
        %add3A_69 = arith.constant 2 : i32
        %add3A_70 = vector.broadcast %add3A_69 : i32 to vector<16xi32>
        %add3A_71 = arith.addi %mul3A_68, %add3A_70 : vector<16xi32>
        tpu.vector_store_idx %arg7[%add3A_71], %gather3A_65 {add = true} : memref<40960xf32, #tpu.memory_space<vmem>>[vector<16xi32>], vector<16xf32>,
        %mul3A_72 = arith.constant 16 : i32
        %mul3A_73 = vector.broadcast %mul3A_72 : i32 to vector<16xi32>
        %mul3A_74 = arith.muli %add3A_33, %mul3A_73 : vector<16xi32>
        %add3A_75 = arith.constant 3 : i32
        %add3A_76 = vector.broadcast %add3A_75 : i32 to vector<16xi32>
        %add3A_77 = arith.addi %mul3A_74, %add3A_76 : vector<16xi32>
        %gather3A_78 = tpu.vector_load_idx %arg6[%add3A_77] : memref<16384xf32, #tpu.memory_space<vmem>>[vector<16xi32>], vector<16xf32>,
        %mul3A_79 = arith.constant 4 : i32
        %mul3A_80 = vector.broadcast %mul3A_79 : i32 to vector<16xi32>
        %mul3A_81 = arith.muli %get3A_29, %mul3A_80 : vector<16xi32>
        %add3A_82 = arith.constant 3 : i32
        %add3A_83 = vector.broadcast %add3A_82 : i32 to vector<16xi32>
        %add3A_84 = arith.addi %mul3A_81, %add3A_83 : vector<16xi32>
        tpu.vector_store_idx %arg7[%add3A_84], %gather3A_78 {add = true} : memref<40960xf32, #tpu.memory_space<vmem>>[vector<16xi32>], vector<16xf32>,
      }
      %scan3A_25 = arith.constant 64 : i32
    }
    %scan3A_13 = arith.constant 5 : i32
    "tpu.region"() ({
      %run_scoped3A = tpu.sem_alloc : memref<!tpu.dma_semaphore, #tpu.memory_space<semaphore_mem>>
      %dma_start3A = arith.constant 0 : i32
      %dma_start3A_14 = tpu.memref_slice %arg4[%add3A, %dma_start3A] : memref<32x40960xf32, #tpu.memory_space<hbm>> -> memref<1x40960xf32, #tpu.memory_space<hbm>>
      %dma_start3A_15 = tpu.memref_squeeze %dma_start3A_14 : memref<1x40960xf32, #tpu.memory_space<hbm>> -> memref<40960xf32, #tpu.memory_space<hbm>>
      %dma_start3A_16 = arith.constant 0 : i32
      %dma_start3A_17 = tpu.memref_slice %arg4[%add3A, %dma_start3A_16] : memref<32x40960xf32, #tpu.memory_space<hbm>> -> memref<1x40960xf32, #tpu.memory_space<hbm>>
      %dma_start3A_18 = tpu.memref_squeeze %dma_start3A_17 : memref<1x40960xf32, #tpu.memory_space<hbm>> -> memref<40960xf32, #tpu.memory_space<hbm>>
      tpu.enqueue_dma source(%arg7 : memref<40960xf32, #tpu.memory_space<vmem>>) target(%dma_start3A_18 : memref<40960xf32, #tpu.memory_space<hbm>>) target_semaphore(%run_scoped3A : memref<!tpu.dma_semaphore, #tpu.memory_space<semaphore_mem>>)
      %dma_wait3A = arith.constant 0 : i32
      %dma_wait3A_19 = tpu.memref_slice %arg4[%add3A, %dma_wait3A] : memref<32x40960xf32, #tpu.memory_space<hbm>> -> memref<1x40960xf32, #tpu.memory_space<hbm>>
      %dma_wait3A_20 = tpu.memref_squeeze %dma_wait3A_19 : memref<1x40960xf32, #tpu.memory_space<hbm>> -> memref<40960xf32, #tpu.memory_space<hbm>>
      %dma_wait3A_21 = arith.constant 0 : i32
      %dma_wait3A_22 = tpu.memref_slice %arg4[%add3A, %dma_wait3A_21] : memref<32x40960xf32, #tpu.memory_space<hbm>> -> memref<1x40960xf32, #tpu.memory_space<hbm>>
      %dma_wait3A_23 = tpu.memref_squeeze %dma_wait3A_22 : memref<1x40960xf32, #tpu.memory_space<hbm>> -> memref<40960xf32, #tpu.memory_space<hbm>>
      tpu.wait_dma2 semaphore(%run_scoped3A : memref<!tpu.dma_semaphore, #tpu.memory_space<semaphore_mem>>) src(%arg7 : memref<40960xf32, #tpu.memory_space<vmem>>) dst(%dma_wait3A_23 : memref<40960xf32, #tpu.memory_space<hbm>>)
      tpu.yield
    }) : () -> ()
    return
  }
}

#map = affine_map<(d0, d1) -> (0)>
module attributes {stable_mosaic.version = 14 : i64} {
  func.func @_gather(%arg0: i32, %arg1: i32, %arg2: memref<2621440xf32, #tpu.memory_space<hbm>>, %arg3: memref<163840xi32, #tpu.memory_space<hbm>>, %arg4: memref<40960xf32, #tpu.memory_space<hbm>>, %arg5: memref<163840xf32, #tpu.memory_space<hbm>>, %arg6: memref<40960xf32, #tpu.memory_space<vmem>>, %arg7: memref<16384xf32, #tpu.memory_space<vmem>>, %arg8: memref<1024xi32, #tpu.memory_space<vmem>>, %arg9: memref<1024xf32, #tpu.memory_space<vmem>>) attributes {dimension_semantics = [#tpu.dimension_semantics<core_parallel>, #tpu.dimension_semantics<subcore_parallel>], iteration_bounds = array<i64: 2, 16>, scalar_prefetch = 0 : i64, scratch_operands = 4 : i64, tpu.core_type = #tpu.core_type<sc_vector_subcore>, window_params = [{transform_indices = #map}, {transform_indices = #map}, {transform_indices = #map}, {transform_indices = #map}]} {
    %mul3A = arith.constant 2 : i32
    %mul3A_0 = arith.muli %arg1, %mul3A : i32
    %add3A = arith.addi %mul3A_0, %arg0 : i32
    %mul3A_1 = arith.constant 5120 : i32
    %mul3A_2 = arith.muli %add3A, %mul3A_1 : i32
    "tpu.region"() ({
      %run_scoped3A = tpu.sem_alloc : memref<!tpu.dma_semaphore, #tpu.memory_space<semaphore_mem>>
      tpu.enqueue_dma source(%arg4 : memref<40960xf32, #tpu.memory_space<hbm>>) target(%arg6 : memref<40960xf32, #tpu.memory_space<vmem>>) target_semaphore(%run_scoped3A : memref<!tpu.dma_semaphore, #tpu.memory_space<semaphore_mem>>)
      tpu.wait_dma2 semaphore(%run_scoped3A : memref<!tpu.dma_semaphore, #tpu.memory_space<semaphore_mem>>) src(%arg4 : memref<40960xf32, #tpu.memory_space<hbm>>) dst(%arg6 : memref<40960xf32, #tpu.memory_space<vmem>>)
      tpu.yield
    }) : () -> ()
    %scan3A = arith.constant 0 : i32
    %scan3A_3 = arith.constant 0 : i32
    %scan3A_4 = arith.constant 5 : i32
    %scan3A_5 = arith.addi %scan3A_3, %scan3A_4 : i32
    %scan3A_6 = arith.constant 1 : i32
    scf.for %scan3A_8 = %scan3A_3 to %scan3A_5 step %scan3A_6  : i32 {
      %mul3A_9 = arith.constant 1024 : i32
      %mul3A_10 = arith.muli %scan3A_8, %mul3A_9 : i32
      %add3A_11 = arith.addi %mul3A_2, %mul3A_10 : i32
      "tpu.region"() ({
        %run_scoped3A = tpu.sem_alloc : memref<!tpu.dma_semaphore, #tpu.memory_space<semaphore_mem>>
        %dma_start3A = tpu.memref_slice %arg3[%add3A_11] : memref<163840xi32, #tpu.memory_space<hbm>> -> memref<1024xi32, #tpu.memory_space<hbm>>
        %dma_start3A_20 = tpu.memref_slice %arg3[%add3A_11] : memref<163840xi32, #tpu.memory_space<hbm>> -> memref<1024xi32, #tpu.memory_space<hbm>>
        tpu.enqueue_dma source(%dma_start3A_20 : memref<1024xi32, #tpu.memory_space<hbm>>) target(%arg8 : memref<1024xi32, #tpu.memory_space<vmem>>) target_semaphore(%run_scoped3A : memref<!tpu.dma_semaphore, #tpu.memory_space<semaphore_mem>>)
        %dma_wait3A = tpu.memref_slice %arg3[%add3A_11] : memref<163840xi32, #tpu.memory_space<hbm>> -> memref<1024xi32, #tpu.memory_space<hbm>>
        %dma_wait3A_21 = tpu.memref_slice %arg3[%add3A_11] : memref<163840xi32, #tpu.memory_space<hbm>> -> memref<1024xi32, #tpu.memory_space<hbm>>
        tpu.wait_dma2 semaphore(%run_scoped3A : memref<!tpu.dma_semaphore, #tpu.memory_space<semaphore_mem>>) src(%dma_wait3A_21 : memref<1024xi32, #tpu.memory_space<hbm>>) dst(%arg8 : memref<1024xi32, #tpu.memory_space<vmem>>)
        tpu.yield
      }) : () -> ()
      %mul3A_12 = arith.constant 16 : i32
      %mul3A_13 = arith.muli %add3A_11, %mul3A_12 : i32
      "tpu.region"() ({
        %run_scoped3A = tpu.sem_alloc : memref<!tpu.dma_semaphore, #tpu.memory_space<semaphore_mem>>
        %dma_start3A = tpu.memref_slice %arg2[%mul3A_13] : memref<2621440xf32, #tpu.memory_space<hbm>> -> memref<16384xf32, #tpu.memory_space<hbm>>
        %dma_start3A_20 = tpu.memref_slice %arg2[%mul3A_13] : memref<2621440xf32, #tpu.memory_space<hbm>> -> memref<16384xf32, #tpu.memory_space<hbm>>
        tpu.enqueue_dma source(%dma_start3A_20 : memref<16384xf32, #tpu.memory_space<hbm>>) target(%arg7 : memref<16384xf32, #tpu.memory_space<vmem>>) target_semaphore(%run_scoped3A : memref<!tpu.dma_semaphore, #tpu.memory_space<semaphore_mem>>)
        %dma_wait3A = tpu.memref_slice %arg2[%mul3A_13] : memref<2621440xf32, #tpu.memory_space<hbm>> -> memref<16384xf32, #tpu.memory_space<hbm>>
        %dma_wait3A_21 = tpu.memref_slice %arg2[%mul3A_13] : memref<2621440xf32, #tpu.memory_space<hbm>> -> memref<16384xf32, #tpu.memory_space<hbm>>
        tpu.wait_dma2 semaphore(%run_scoped3A : memref<!tpu.dma_semaphore, #tpu.memory_space<semaphore_mem>>) src(%dma_wait3A_21 : memref<16384xf32, #tpu.memory_space<hbm>>) dst(%arg7 : memref<16384xf32, #tpu.memory_space<vmem>>)
        tpu.yield
      }) : () -> ()
      %scan3A_14 = arith.constant 0 : i32
      %scan3A_15 = arith.constant 0 : i32
      %scan3A_16 = arith.constant 64 : i32
      %scan3A_17 = arith.addi %scan3A_15, %scan3A_16 : i32
      %scan3A_18 = arith.constant 1 : i32
      scf.for %scan3A_20 = %scan3A_15 to %scan3A_17 step %scan3A_18  : i32 {
        %mul3A_21 = arith.constant 16 : i32
        %mul3A_22 = arith.muli %scan3A_20, %mul3A_21 : i32
        %get3A = arith.index_cast %mul3A_22 : i32 to index
        %get3A_23 = tpu.vector_load %arg8[%get3A] {strides = array<i32>} : memref<1024xi32, #tpu.memory_space<vmem>>, vector<16xi32>,
        %iota3A = tpu.iota {dimensions = array<i32: 0>} : vector<16xi32>
        %mul3A_24 = arith.constant 16 : i32
        %mul3A_25 = arith.muli %scan3A_20, %mul3A_24 : i32
        %add3A_26 = vector.broadcast %mul3A_25 : i32 to vector<16xi32>
        %add3A_27 = arith.addi %iota3A, %add3A_26 : vector<16xi32>
        %broadcast_in_dim3A = arith.constant 0.000000e+00 : f32
        %broadcast_in_dim3A_28 = vector.broadcast %broadcast_in_dim3A : f32 to vector<16xf32>
        %mul3A_29 = arith.constant 16 : i32
        %mul3A_30 = vector.broadcast %mul3A_29 : i32 to vector<16xi32>
        %mul3A_31 = arith.muli %add3A_27, %mul3A_30 : vector<16xi32>
        %add3A_32 = arith.constant 0 : i32
        %add3A_33 = vector.broadcast %add3A_32 : i32 to vector<16xi32>
        %add3A_34 = arith.addi %mul3A_31, %add3A_33 : vector<16xi32>
        %gather3A = tpu.vector_load_idx %arg7[%add3A_34] : memref<16384xf32, #tpu.memory_space<vmem>>[vector<16xi32>], vector<16xf32>,
        %mul3A_35 = arith.constant 4 : i32
        %mul3A_36 = vector.broadcast %mul3A_35 : i32 to vector<16xi32>
        %mul3A_37 = arith.muli %get3A_23, %mul3A_36 : vector<16xi32>
        %add3A_38 = arith.constant 0 : i32
        %add3A_39 = vector.broadcast %add3A_38 : i32 to vector<16xi32>
        %add3A_40 = arith.addi %mul3A_37, %add3A_39 : vector<16xi32>
        %gather3A_41 = tpu.vector_load_idx %arg6[%add3A_40] : memref<40960xf32, #tpu.memory_space<vmem>>[vector<16xi32>], vector<16xf32>,
        %add3A_42 = arith.constant 9.99999997E-7 : f32
        %add3A_43 = vector.broadcast %add3A_42 : f32 to vector<16xf32>
        %add3A_44 = arith.addf %gather3A_41, %add3A_43 : vector<16xf32>
        %div3A = arith.divf %gather3A, %add3A_44 : vector<16xf32>
        %add3A_45 = arith.addf %broadcast_in_dim3A_28, %div3A : vector<16xf32>
        %mul3A_46 = arith.constant 16 : i32
        %mul3A_47 = vector.broadcast %mul3A_46 : i32 to vector<16xi32>
        %mul3A_48 = arith.muli %add3A_27, %mul3A_47 : vector<16xi32>
        %add3A_49 = arith.constant 1 : i32
        %add3A_50 = vector.broadcast %add3A_49 : i32 to vector<16xi32>
        %add3A_51 = arith.addi %mul3A_48, %add3A_50 : vector<16xi32>
        %gather3A_52 = tpu.vector_load_idx %arg7[%add3A_51] : memref<16384xf32, #tpu.memory_space<vmem>>[vector<16xi32>], vector<16xf32>,
        %mul3A_53 = arith.constant 4 : i32
        %mul3A_54 = vector.broadcast %mul3A_53 : i32 to vector<16xi32>
        %mul3A_55 = arith.muli %get3A_23, %mul3A_54 : vector<16xi32>
        %add3A_56 = arith.constant 1 : i32
        %add3A_57 = vector.broadcast %add3A_56 : i32 to vector<16xi32>
        %add3A_58 = arith.addi %mul3A_55, %add3A_57 : vector<16xi32>
        %gather3A_59 = tpu.vector_load_idx %arg6[%add3A_58] : memref<40960xf32, #tpu.memory_space<vmem>>[vector<16xi32>], vector<16xf32>,
        %add3A_60 = arith.constant 9.99999997E-7 : f32
        %add3A_61 = vector.broadcast %add3A_60 : f32 to vector<16xf32>
        %add3A_62 = arith.addf %gather3A_59, %add3A_61 : vector<16xf32>
        %div3A_63 = arith.divf %gather3A_52, %add3A_62 : vector<16xf32>
        %add3A_64 = arith.addf %add3A_45, %div3A_63 : vector<16xf32>
        %mul3A_65 = arith.constant 16 : i32
        %mul3A_66 = vector.broadcast %mul3A_65 : i32 to vector<16xi32>
        %mul3A_67 = arith.muli %add3A_27, %mul3A_66 : vector<16xi32>
        %add3A_68 = arith.constant 2 : i32
        %add3A_69 = vector.broadcast %add3A_68 : i32 to vector<16xi32>
        %add3A_70 = arith.addi %mul3A_67, %add3A_69 : vector<16xi32>
        %gather3A_71 = tpu.vector_load_idx %arg7[%add3A_70] : memref<16384xf32, #tpu.memory_space<vmem>>[vector<16xi32>], vector<16xf32>,
        %mul3A_72 = arith.constant 4 : i32
        %mul3A_73 = vector.broadcast %mul3A_72 : i32 to vector<16xi32>
        %mul3A_74 = arith.muli %get3A_23, %mul3A_73 : vector<16xi32>
        %add3A_75 = arith.constant 2 : i32
        %add3A_76 = vector.broadcast %add3A_75 : i32 to vector<16xi32>
        %add3A_77 = arith.addi %mul3A_74, %add3A_76 : vector<16xi32>
        %gather3A_78 = tpu.vector_load_idx %arg6[%add3A_77] : memref<40960xf32, #tpu.memory_space<vmem>>[vector<16xi32>], vector<16xf32>,
        %add3A_79 = arith.constant 9.99999997E-7 : f32
        %add3A_80 = vector.broadcast %add3A_79 : f32 to vector<16xf32>
        %add3A_81 = arith.addf %gather3A_78, %add3A_80 : vector<16xf32>
        %div3A_82 = arith.divf %gather3A_71, %add3A_81 : vector<16xf32>
        %add3A_83 = arith.addf %add3A_64, %div3A_82 : vector<16xf32>
        %mul3A_84 = arith.constant 16 : i32
        %mul3A_85 = vector.broadcast %mul3A_84 : i32 to vector<16xi32>
        %mul3A_86 = arith.muli %add3A_27, %mul3A_85 : vector<16xi32>
        %add3A_87 = arith.constant 3 : i32
        %add3A_88 = vector.broadcast %add3A_87 : i32 to vector<16xi32>
        %add3A_89 = arith.addi %mul3A_86, %add3A_88 : vector<16xi32>
        %gather3A_90 = tpu.vector_load_idx %arg7[%add3A_89] : memref<16384xf32, #tpu.memory_space<vmem>>[vector<16xi32>], vector<16xf32>,
        %mul3A_91 = arith.constant 4 : i32
        %mul3A_92 = vector.broadcast %mul3A_91 : i32 to vector<16xi32>
        %mul3A_93 = arith.muli %get3A_23, %mul3A_92 : vector<16xi32>
        %add3A_94 = arith.constant 3 : i32
        %add3A_95 = vector.broadcast %add3A_94 : i32 to vector<16xi32>
        %add3A_96 = arith.addi %mul3A_93, %add3A_95 : vector<16xi32>
        %gather3A_97 = tpu.vector_load_idx %arg6[%add3A_96] : memref<40960xf32, #tpu.memory_space<vmem>>[vector<16xi32>], vector<16xf32>,
        %add3A_98 = arith.constant 9.99999997E-7 : f32
        %add3A_99 = vector.broadcast %add3A_98 : f32 to vector<16xf32>
        %add3A_100 = arith.addf %gather3A_97, %add3A_99 : vector<16xf32>
        %div3A_101 = arith.divf %gather3A_90, %add3A_100 : vector<16xf32>
        %add3A_102 = arith.addf %add3A_83, %div3A_101 : vector<16xf32>
        %mul3A_103 = arith.constant 2.500000e-01 : f32
        %mul3A_104 = vector.broadcast %mul3A_103 : f32 to vector<16xf32>
        %mul3A_105 = arith.mulf %add3A_102, %mul3A_104 : vector<16xf32>
        %mul3A_106 = arith.constant 16 : i32
        %mul3A_107 = arith.muli %scan3A_20, %mul3A_106 : i32
        %swap3A = arith.index_cast %mul3A_107 : i32 to index
        %swap3A_108 = tpu.vector_load %arg9[%swap3A] {strides = array<i32>} : memref<1024xf32, #tpu.memory_space<vmem>>, vector<16xf32>,
        tpu.vector_store %arg9[%swap3A], %mul3A_105 {strides = array<i32>} : memref<1024xf32, #tpu.memory_space<vmem>>, vector<16xf32>,
      }
      %scan3A_19 = arith.constant 64 : i32
      "tpu.region"() ({
        %run_scoped3A = tpu.sem_alloc : memref<!tpu.dma_semaphore, #tpu.memory_space<semaphore_mem>>
        %dma_start3A = tpu.memref_slice %arg5[%add3A_11] : memref<163840xf32, #tpu.memory_space<hbm>> -> memref<1024xf32, #tpu.memory_space<hbm>>
        %dma_start3A_20 = tpu.memref_slice %arg5[%add3A_11] : memref<163840xf32, #tpu.memory_space<hbm>> -> memref<1024xf32, #tpu.memory_space<hbm>>
        tpu.enqueue_dma source(%arg9 : memref<1024xf32, #tpu.memory_space<vmem>>) target(%dma_start3A_20 : memref<1024xf32, #tpu.memory_space<hbm>>) target_semaphore(%run_scoped3A : memref<!tpu.dma_semaphore, #tpu.memory_space<semaphore_mem>>)
        %dma_wait3A = tpu.memref_slice %arg5[%add3A_11] : memref<163840xf32, #tpu.memory_space<hbm>> -> memref<1024xf32, #tpu.memory_space<hbm>>
        %dma_wait3A_21 = tpu.memref_slice %arg5[%add3A_11] : memref<163840xf32, #tpu.memory_space<hbm>> -> memref<1024xf32, #tpu.memory_space<hbm>>
        tpu.wait_dma2 semaphore(%run_scoped3A : memref<!tpu.dma_semaphore, #tpu.memory_space<semaphore_mem>>) src(%arg9 : memref<1024xf32, #tpu.memory_space<vmem>>) dst(%dma_wait3A_21 : memref<1024xf32, #tpu.memory_space<hbm>>)
        tpu.yield
      }) : () -> ()
    }
    %scan3A_7 = arith.constant 5 : i32
    return
  }
}

module attributes {stable_mosaic.version = 14 : i64} {
  func.func @_dense_body(%arg0: i32, %arg1: memref<640x256xf32, #tpu.memory_space<vmem>>, %arg2: memref<640x256xf32, #tpu.memory_space<vmem>>, %arg3: memref<256x256xf32, #tpu.memory_space<vmem>>, %arg4: memref<256x256xf32, #tpu.memory_space<vmem>>, %arg5: memref<256x16xf32, #tpu.memory_space<vmem>>, %arg6: memref<256x16xf32, #tpu.memory_space<vmem>>, %arg7: memref<1x256xf32, #tpu.memory_space<vmem>>, %arg8: memref<1x256xf32, #tpu.memory_space<vmem>>, %arg9: memref<1x256xf32, #tpu.memory_space<vmem>>, %arg10: memref<1x256xf32, #tpu.memory_space<vmem>>, %arg11: memref<640x16xf32, #tpu.memory_space<vmem>>) attributes {dimension_semantics = [#tpu.dimension_semantics<arbitrary>], iteration_bounds = array<i64: 250>, scalar_prefetch = 0 : i64, scratch_operands = 0 : i64, tpu.core_type = #tpu.core_type<tc>, window_params = [{transform_indices = @transform_0, window_bounds = array<i64: 640, 256>}, {transform_indices = @transform_1, window_bounds = array<i64: 640, 256>}, {pipeline_mode = #tpu.pipeline_mode<synchronous>, transform_indices = @transform_2, window_bounds = array<i64: 256, 256>}, {pipeline_mode = #tpu.pipeline_mode<synchronous>, transform_indices = @transform_3, window_bounds = array<i64: 256, 256>}, {pipeline_mode = #tpu.pipeline_mode<synchronous>, transform_indices = @transform_4, window_bounds = array<i64: 256, 16>}, {pipeline_mode = #tpu.pipeline_mode<synchronous>, transform_indices = @transform_5, window_bounds = array<i64: 256, 16>}, {pipeline_mode = #tpu.pipeline_mode<synchronous>, transform_indices = @transform_6, window_bounds = array<i64: 1, 256>}, {pipeline_mode = #tpu.pipeline_mode<synchronous>, transform_indices = @transform_7, window_bounds = array<i64: 1, 256>}, {pipeline_mode = #tpu.pipeline_mode<synchronous>, transform_indices = @transform_8, window_bounds = array<i64: 1, 256>}, {pipeline_mode = #tpu.pipeline_mode<synchronous>, transform_indices = @transform_9, window_bounds = array<i64: 1, 256>}, {transform_indices = @transform_10, window_bounds = array<i64: 640, 16>}]} {
    %get3A = arith.constant 0 : index
    %get3A_0 = arith.constant 0 : index
    %get3A_1 = vector.load %arg1[%get3A, %get3A_0] : memref<640x256xf32, #tpu.memory_space<vmem>>, vector<640x256xf32>
    %reduce_sum3A = arith.constant dense<0.000000e+00> : vector<640xf32>
    %reduce_sum3A_2 = vector.multi_reduction <add>, %get3A_1, %reduce_sum3A [1] : vector<640x256xf32> to vector<640xf32>
    %broadcast_in_dim3A = vector.shape_cast %reduce_sum3A_2 : vector<640xf32> to vector<640x1xf32>
    %div3A = arith.constant 2.560000e+02 : f32
    %div3A_3 = vector.broadcast %div3A : f32 to vector<640x1xf32>
    %div3A_4 = arith.divf %broadcast_in_dim3A, %div3A_3 : vector<640x1xf32>
    %sub3A = vector.broadcast %div3A_4 : vector<640x1xf32> to vector<640x256xf32>
    %sub3A_5 = arith.subf %get3A_1, %sub3A : vector<640x256xf32>
    %integer_pow3A = arith.mulf %sub3A_5, %sub3A_5 : vector<640x256xf32>
    %reduce_sum3A_6 = arith.constant dense<0.000000e+00> : vector<640xf32>
    %reduce_sum3A_7 = vector.multi_reduction <add>, %integer_pow3A, %reduce_sum3A_6 [1] : vector<640x256xf32> to vector<640xf32>
    %broadcast_in_dim3A_8 = vector.shape_cast %reduce_sum3A_7 : vector<640xf32> to vector<640x1xf32>
    %div3A_9 = arith.constant 2.560000e+02 : f32
    %div3A_10 = vector.broadcast %div3A_9 : f32 to vector<640x1xf32>
    %div3A_11 = arith.divf %broadcast_in_dim3A_8, %div3A_10 : vector<640x1xf32>
    %sub3A_12 = vector.broadcast %div3A_4 : vector<640x1xf32> to vector<640x256xf32>
    %sub3A_13 = arith.subf %get3A_1, %sub3A_12 : vector<640x256xf32>
    %add3A = arith.constant 9.99999974E-6 : f32
    %add3A_14 = vector.broadcast %add3A : f32 to vector<640x1xf32>
    %add3A_15 = arith.addf %div3A_11, %add3A_14 : vector<640x1xf32>
    %rsqrt3A = math.rsqrt %add3A_15 : vector<640x1xf32>
    %mul3A = vector.broadcast %rsqrt3A : vector<640x1xf32> to vector<640x256xf32>
    %mul3A_16 = arith.mulf %sub3A_13, %mul3A : vector<640x256xf32>
    %get3A_17 = arith.constant 0 : index
    %get3A_18 = arith.constant 0 : index
    %get3A_19 = vector.load %arg7[%get3A_17, %get3A_18] : memref<1x256xf32, #tpu.memory_space<vmem>>, vector<1x256xf32>
    %mul3A_20 = vector.broadcast %get3A_19 : vector<1x256xf32> to vector<640x256xf32>
    %mul3A_21 = arith.mulf %mul3A_16, %mul3A_20 : vector<640x256xf32>
    %get3A_22 = arith.constant 0 : index
    %get3A_23 = arith.constant 0 : index
    %get3A_24 = vector.load %arg8[%get3A_22, %get3A_23] : memref<1x256xf32, #tpu.memory_space<vmem>>, vector<1x256xf32>
    %add3A_25 = vector.broadcast %get3A_24 : vector<1x256xf32> to vector<640x256xf32>
    %add3A_26 = arith.addf %mul3A_21, %add3A_25 : vector<640x256xf32>
    %get3A_27 = arith.constant 0 : index
    %get3A_28 = arith.constant 0 : index
    %get3A_29 = vector.load %arg2[%get3A_27, %get3A_28] : memref<640x256xf32, #tpu.memory_space<vmem>>, vector<640x256xf32>
    %reduce_sum3A_30 = arith.constant dense<0.000000e+00> : vector<640xf32>
    %reduce_sum3A_31 = vector.multi_reduction <add>, %get3A_29, %reduce_sum3A_30 [1] : vector<640x256xf32> to vector<640xf32>
    %broadcast_in_dim3A_32 = vector.shape_cast %reduce_sum3A_31 : vector<640xf32> to vector<640x1xf32>
    %div3A_33 = arith.constant 2.560000e+02 : f32
    %div3A_34 = vector.broadcast %div3A_33 : f32 to vector<640x1xf32>
    %div3A_35 = arith.divf %broadcast_in_dim3A_32, %div3A_34 : vector<640x1xf32>
    %sub3A_36 = vector.broadcast %div3A_35 : vector<640x1xf32> to vector<640x256xf32>
    %sub3A_37 = arith.subf %get3A_29, %sub3A_36 : vector<640x256xf32>
    %integer_pow3A_38 = arith.mulf %sub3A_37, %sub3A_37 : vector<640x256xf32>
    %reduce_sum3A_39 = arith.constant dense<0.000000e+00> : vector<640xf32>
    %reduce_sum3A_40 = vector.multi_reduction <add>, %integer_pow3A_38, %reduce_sum3A_39 [1] : vector<640x256xf32> to vector<640xf32>
    %broadcast_in_dim3A_41 = vector.shape_cast %reduce_sum3A_40 : vector<640xf32> to vector<640x1xf32>
    %div3A_42 = arith.constant 2.560000e+02 : f32
    %div3A_43 = vector.broadcast %div3A_42 : f32 to vector<640x1xf32>
    %div3A_44 = arith.divf %broadcast_in_dim3A_41, %div3A_43 : vector<640x1xf32>
    %sub3A_45 = vector.broadcast %div3A_35 : vector<640x1xf32> to vector<640x256xf32>
    %sub3A_46 = arith.subf %get3A_29, %sub3A_45 : vector<640x256xf32>
    %add3A_47 = arith.constant 9.99999974E-6 : f32
    %add3A_48 = vector.broadcast %add3A_47 : f32 to vector<640x1xf32>
    %add3A_49 = arith.addf %div3A_44, %add3A_48 : vector<640x1xf32>
    %rsqrt3A_50 = math.rsqrt %add3A_49 : vector<640x1xf32>
    %mul3A_51 = vector.broadcast %rsqrt3A_50 : vector<640x1xf32> to vector<640x256xf32>
    %mul3A_52 = arith.mulf %sub3A_46, %mul3A_51 : vector<640x256xf32>
    %get3A_53 = arith.constant 0 : index
    %get3A_54 = arith.constant 0 : index
    %get3A_55 = vector.load %arg9[%get3A_53, %get3A_54] : memref<1x256xf32, #tpu.memory_space<vmem>>, vector<1x256xf32>
    %mul3A_56 = vector.broadcast %get3A_55 : vector<1x256xf32> to vector<640x256xf32>
    %mul3A_57 = arith.mulf %mul3A_52, %mul3A_56 : vector<640x256xf32>
    %get3A_58 = arith.constant 0 : index
    %get3A_59 = arith.constant 0 : index
    %get3A_60 = vector.load %arg10[%get3A_58, %get3A_59] : memref<1x256xf32, #tpu.memory_space<vmem>>, vector<1x256xf32>
    %add3A_61 = vector.broadcast %get3A_60 : vector<1x256xf32> to vector<640x256xf32>
    %add3A_62 = arith.addf %mul3A_57, %add3A_61 : vector<640x256xf32>
    %get3A_63 = arith.constant 0 : index
    %get3A_64 = arith.constant 0 : index
    %get3A_65 = vector.load %arg3[%get3A_63, %get3A_64] : memref<256x256xf32, #tpu.memory_space<vmem>>, vector<256x256xf32>
    %dot_general3A = arith.constant dense<0.000000e+00> : vector<640x256xf32>
    %dot_general3A_66 = tpu.matmul %add3A_26, %get3A_65, %dot_general3A {dimension_numbers = #tpu.dot_dimension_numbers<[1], [0], [0], [1], [0, 0, 1, 1], [], []>, transpose_lhs_hint = false} : vector<640x256xf32>, vector<256x256xf32>, vector<640x256xf32> -> vector<640x256xf32>
    %get3A_67 = arith.constant 0 : index
    %get3A_68 = arith.constant 0 : index
    %get3A_69 = vector.load %arg4[%get3A_67, %get3A_68] : memref<256x256xf32, #tpu.memory_space<vmem>>, vector<256x256xf32>
    %dot_general3A_70 = arith.constant dense<0.000000e+00> : vector<640x256xf32>
    %dot_general3A_71 = tpu.matmul %add3A_62, %get3A_69, %dot_general3A_70 {dimension_numbers = #tpu.dot_dimension_numbers<[1], [0], [0], [1], [0, 0, 1, 1], [], []>, transpose_lhs_hint = false} : vector<640x256xf32>, vector<256x256xf32>, vector<640x256xf32> -> vector<640x256xf32>
    %mul3A_72 = arith.mulf %dot_general3A_66, %dot_general3A_71 : vector<640x256xf32>
    %get3A_73 = arith.constant 0 : index
    %get3A_74 = arith.constant 0 : index
    %get3A_75 = vector.load %arg6[%get3A_73, %get3A_74] : memref<256x16xf32, #tpu.memory_space<vmem>>, vector<256x16xf32>
    %dot_general3A_76 = arith.constant dense<0.000000e+00> : vector<640x16xf32>
    %dot_general3A_77 = tpu.matmul %mul3A_72, %get3A_75, %dot_general3A_76 {dimension_numbers = #tpu.dot_dimension_numbers<[1], [0], [0], [1], [0, 0, 1, 1], [], []>, transpose_lhs_hint = false} : vector<640x256xf32>, vector<256x16xf32>, vector<640x16xf32> -> vector<640x16xf32>
    %get3A_78 = arith.constant 0 : index
    %get3A_79 = arith.constant 0 : index
    %get3A_80 = vector.load %arg5[%get3A_78, %get3A_79] : memref<256x16xf32, #tpu.memory_space<vmem>>, vector<256x16xf32>
    %dot_general3A_81 = arith.constant dense<0.000000e+00> : vector<640x16xf32>
    %dot_general3A_82 = tpu.matmul %add3A_62, %get3A_80, %dot_general3A_81 {dimension_numbers = #tpu.dot_dimension_numbers<[1], [0], [0], [1], [0, 0, 1, 1], [], []>, transpose_lhs_hint = false} : vector<640x256xf32>, vector<256x16xf32>, vector<640x16xf32> -> vector<640x16xf32>
    %add3A_83 = arith.addf %dot_general3A_77, %dot_general3A_82 : vector<640x16xf32>
    %iota3A = tpu.iota {dimensions = array<i32: 1>} : vector<640x16xi32>
    %lt3A = arith.constant 4 : i32
    %lt3A_84 = vector.broadcast %lt3A : i32 to vector<640x16xi32>
    %lt3A_85 = arith.cmpi slt, %iota3A, %lt3A_84 : vector<640x16xi32>
    %exp3A = math.exp %add3A_83 : vector<640x16xf32>
    %jit3A = arith.constant 0.000000e+00 : f32
    %broadcast_in_dim3A_86 = vector.broadcast %jit3A : f32 to vector<640x16xf32>
    %select_n3A = arith.select %lt3A_85, %exp3A, %broadcast_in_dim3A_86 : vector<640x16xi1>, vector<640x16xf32>
    %swap3A = arith.constant 0 : index
    %swap3A_87 = arith.constant 0 : index
    %swap3A_88 = vector.load %arg11[%swap3A, %swap3A_87] : memref<640x16xf32, #tpu.memory_space<vmem>>, vector<640x16xf32>
    tpu.vector_store %arg11[%swap3A, %swap3A_87], %select_n3A {strides = array<i32>} : memref<640x16xf32, #tpu.memory_space<vmem>>, vector<640x16xf32>,
    return
  }
  func.func @transform_0(%arg0: i32) -> (i32, i32) {
    %c0_i32 = arith.constant 0 : i32
    %c0_i32_0 = arith.constant 0 : i32
    return %arg0, %c0_i32 : i32, i32
  }
  func.func @transform_1(%arg0: i32) -> (i32, i32) {
    %c0_i32 = arith.constant 0 : i32
    %c0_i32_0 = arith.constant 0 : i32
    return %arg0, %c0_i32 : i32, i32
  }
  func.func @transform_2(%arg0: i32) -> (i32, i32) {
    %c0_i32 = arith.constant 0 : i32
    %c0_i32_0 = arith.constant 0 : i32
    %c0_i32_1 = arith.constant 0 : i32
    return %c0_i32, %c0_i32_0 : i32, i32
  }
  func.func @transform_3(%arg0: i32) -> (i32, i32) {
    %c0_i32 = arith.constant 0 : i32
    %c0_i32_0 = arith.constant 0 : i32
    %c0_i32_1 = arith.constant 0 : i32
    return %c0_i32, %c0_i32_0 : i32, i32
  }
  func.func @transform_4(%arg0: i32) -> (i32, i32) {
    %c0_i32 = arith.constant 0 : i32
    %c0_i32_0 = arith.constant 0 : i32
    %c0_i32_1 = arith.constant 0 : i32
    return %c0_i32, %c0_i32_0 : i32, i32
  }
  func.func @transform_5(%arg0: i32) -> (i32, i32) {
    %c0_i32 = arith.constant 0 : i32
    %c0_i32_0 = arith.constant 0 : i32
    %c0_i32_1 = arith.constant 0 : i32
    return %c0_i32, %c0_i32_0 : i32, i32
  }
  func.func @transform_6(%arg0: i32) -> (i32, i32) {
    %c0_i32 = arith.constant 0 : i32
    %c0_i32_0 = arith.constant 0 : i32
    %c0_i32_1 = arith.constant 0 : i32
    return %c0_i32, %c0_i32_0 : i32, i32
  }
  func.func @transform_7(%arg0: i32) -> (i32, i32) {
    %c0_i32 = arith.constant 0 : i32
    %c0_i32_0 = arith.constant 0 : i32
    %c0_i32_1 = arith.constant 0 : i32
    return %c0_i32, %c0_i32_0 : i32, i32
  }
  func.func @transform_8(%arg0: i32) -> (i32, i32) {
    %c0_i32 = arith.constant 0 : i32
    %c0_i32_0 = arith.constant 0 : i32
    %c0_i32_1 = arith.constant 0 : i32
    return %c0_i32, %c0_i32_0 : i32, i32
  }
  func.func @transform_9(%arg0: i32) -> (i32, i32) {
    %c0_i32 = arith.constant 0 : i32
    %c0_i32_0 = arith.constant 0 : i32
    %c0_i32_1 = arith.constant 0 : i32
    return %c0_i32, %c0_i32_0 : i32, i32
  }
  func.func @transform_10(%arg0: i32) -> (i32, i32) {
    %c0_i32 = arith.constant 0 : i32
    %c0_i32_0 = arith.constant 0 : i32
    return %arg0, %c0_i32 : i32, i32
  }
}

</mosaic_0001>

<sc_bundles>
// kernel: kernel.12.cloned.1.call-start
scs
__scs_entry_jumppad:
0x0: {  	(pc) =	sbr.rel $0x88, $3  }
0x1: {  	(tag) =	ssettag $0x0;
	lr =	simm.s32 $0x1  }
0x2: {  	[smem:$0x3F97] =	sst lr;
	_ =	strace $0xD0000000  }
0x3: {  	_ = 	snop  }
0x4: {  	_ = 	snop  }
0x5: {  	_ = 	snop  }
0x6: {  	_ = 	snop  }
0x7: {  	_ = 	snop  }
__scs_overlays_trampoline_lowered:
0x8: {  	[smem:$0x3FA6] =	sst s0  }
0x9: {  	[smem:$0x3FA7] =	sst s1  }
0xa: {  	[smem:$0x3FA8] =	sst s2  }
0xb: {  	[smem:$0x3FA9] =	sst s3  }
0xc: {  	[smem:$0x3FAA] =	sst s4  }
0xd: {  	[smem:$0x3FAB] =	sst s5  }
0xe: {  	[smem:$0x3FAC] =	sst s6  }
0xf: {  	[smem:$0x3FAD] =	sst s7  }
0x10: {  	[smem:$0x3FAE] =	sst s8  }
0x11: {  	[smem:$0x3FAF] =	sst s9;
	s0 =	simm.s32 @!p0 $0x0  }
0x12: {  	s1 =	sld [smem:$0x3F95];
	s0 =	simm.s32 @p0 $0x1  }
0x13: {  	[smem:$0x3FB0] =	sst s0;
	s0 =	simm.s32 @!p1 $0x0  }
0x14: {  	s2 =	sld [smem:$0x3F94];
	s0 =	simm.s32 @p1 $0x1  }
0x15: {  	[smem:$0x3FB1] =	sst s0;
	s0 =	simm.s32 @!p2 $0x0  }
0x16: {  	s3 =	sld [smem:$0x3FDB];
	s0 =	simm.s32 @p2 $0x1  }
0x17: {  	s4 =	simm.s32 $0x1BF5;
	[smem:$0x3FB3] =	sst s0  }
0x18: {  	s0 =	sld [smem:$0x3F96];
	_ =	swait.ge [sflag:s4], $0x0  }
0x19: {  	s7 =	sld [smem:$0x3F97]  }
0x1a: {  	s8 =	sadd.s32 $0xFFFFE003, lr  }
0x1b: {  	s9 =	sadd.s32 $0xFFFFFEF7, lr;
	s5 =	simm.s32 $0xFFFFFFFF;
	p2 =	slt.u32 s8, $0xFFFFF086  }
0x1c: {  	p1 =	slt.u32 s9, $0xF7A;
	s5 =	simm.s32 @!p2 $0x0  }
0x1d: {  	s5 =	simm.s32 @p1 $0x1;
	p0 =	seq.s32 s7, s2  }
0x1e: {  	s7 =	smul.u32 @!p0 $0xF7A, s2;
	p2 =	seq.s32 @!p0 s5, $0x0  }
0x1f: {  	s9 =	smul.u32 $0xF7A, s1;
	s8 =	simm.s32 @!p0 $0x1BF5;
	p2 =	por !p2, p0  }
0x20: {  	[sflag:s8] =	ssyncset.s32 @!p0 $0xFFFFF086;
	s6 =	sadd.s32 @!p0 s3, s7;
	s7 =	simm.s32 @!p0 $0x108  }
0x21: {  	s3 =	sadd.s32 s3, s9;
	s6 =	sadd.s32 @!p0 $0x88, s6;
	s7 =	simm.s32 @p2 $0x1082  }
0x22: {  	[simem:s7], [sflag:s8] =	dma.local @!p0 [hbm:s6], $0xF7A  }
0x23: {  	s9 =	sor.u32 $0xD0000000, s2;
	s6 =	simm.s32 $0x108;
	_ =	swait.ge @!p0 [sflag:s8], $0x0  }
0x24: {  	s3 =	sadd.s32 $0x88, s3;
	s6 =	simm.s32 @!p1 $0x1082;
	[sflag:s4] =	ssyncset.s32 $0xFFFFF086  }
0x25: {  	[simem:s6], [sflag:s4] =	dma.local [hbm:s3], $0xF7A  }
0x26: {  	[smem:$0x3F97] =	sst s1;
	(tag) =	ssettag s2;
	_ =	strace s9  }
0x27: {  	s1 =	sld [smem:$0x3FA7]  }
0x28: {  	s2 =	sld [smem:$0x3FA8]  }
0x29: {  	s4 =	sld [smem:$0x3FAA]  }
0x2a: {  	p0 =	seq.s32 s5, $0x0;
	s5 =	sld [smem:$0x3FAB]  }
0x2b: {  	s6 =	sld [smem:$0x3FAC]  }
0x2c: {  	s7 =	sld [smem:$0x3FAD]  }
0x2d: {  	s3 =	simm.s32 $0x108;
	s8 =	sld [smem:$0x3FAE]  }
0x2e: {  	s3 =	simm.s32 @!p0 $0x1082;
	s9 =	sld [smem:$0x3FAF]  }
0x2f: {  	lr =	sadd.s32 s0, s3;
	s0 =	sld [smem:$0x3FA6]  }
0x30: {  	s3 =	sld [smem:$0x3FA9]  }
0x31: {  	[smem:$0x3FB2] =	sst s10  }
0x32: {  	s10 =	sld [smem:$0x3FB0];
	_ =	sdelay $0x3  }
0x33: {  	p0 =	seq.s32 s10, $0x1;
	s10 =	sld [smem:$0x3FB2];
	_ =	sdelay $0x3  }
0x34: {  	[smem:$0x3FB2] =	sst s10  }
0x35: {  	s10 =	sld [smem:$0x3FB1];
	_ =	sdelay $0x3  }
0x36: {  	p1 =	seq.s32 s10, $0x1;
	s10 =	sld [smem:$0x3FB2];
	_ =	sdelay $0x3  }
0x37: {  	[smem:$0x3FB2] =	sst s10  }
0x38: {  	s10 =	sld [smem:$0x3FB3]  }
0x39: {  	_ = 	snop;
	(pc) =	sbr.ind lr, $3  }
0x3a: {  	_ = 	snop  }
0x3b: {  	_ = 	snop  }
0x3c: {  	p2 =	seq.s32 s10, $0x1;
	s10 =	sld [smem:$0x3FB2]  }
0x3d: {  	_ =	shalt  }
0x3e: {  	_ =	shalt  }
0x3f: {  	_ =	shalt  }
0x40: {  	_ =	shalt  }
0x41: {  	_ =	shalt  }
0x42: {  	_ =	shalt  }
0x43: {  	_ =	shalt  }
0x44: {  	_ =	shalt  }
0x45: {  	_ =	shalt  }
0x46: {  	_ =	shalt  }
0x47: {  	_ =	shalt  }
0x48: {  	_ =	shalt  }
0x49: {  	_ =	shalt  }
0x4a: {  	_ =	shalt  }
0x4b: {  	_ =	shalt  }
0x4c: {  	_ =	shalt  }
0x4d: {  	_ =	shalt  }
0x4e: {  	_ =	shalt  }
0x4f: {  	_ =	shalt  }
0x50: {  	_ =	shalt  }
0x51: {  	_ =	shalt  }
0x52: {  	_ =	shalt  }
0x53: {  	_ =	shalt  }
0x54: {  	_ =	shalt  }
0x55: {  	_ =	shalt  }
0x56: {  	_ =	shalt  }
0x57: {  	_ =	shalt  }
0x58: {  	_ =	shalt  }
0x59: {  	_ =	shalt  }
0x5a: {  	_ =	shalt  }
0x5b: {  	_ =	shalt  }
0x5c: {  	_ =	shalt  }
0x5d: {  	_ =	shalt  }
0x5e: {  	_ =	shalt  }
0x5f: {  	_ =	shalt  }
0x60: {  	_ =	shalt  }
0x61: {  	_ =	shalt  }
0x62: {  	_ =	shalt  }
0x63: {  	_ =	shalt  }
0x64: {  	_ =	shalt  }
0x65: {  	_ =	shalt  }
0x66: {  	_ =	shalt  }
0x67: {  	_ =	shalt  }
0x68: {  	_ =	shalt  }
0x69: {  	_ =	shalt  }
0x6a: {  	_ =	shalt  }
0x6b: {  	_ =	shalt  }
0x6c: {  	_ =	shalt  }
0x6d: {  	_ =	shalt  }
0x6e: {  	_ =	shalt  }
0x6f: {  	_ =	shalt  }
0x70: {  	_ =	shalt  }
0x71: {  	_ =	shalt  }
0x72: {  	_ =	shalt  }
0x73: {  	_ =	shalt  }
0x74: {  	_ =	shalt  }
0x75: {  	_ =	shalt  }
0x76: {  	_ =	shalt  }
0x77: {  	_ =	shalt  }
0x78: {  	_ =	shalt  }
0x79: {  	_ =	shalt  }
0x7a: {  	_ =	shalt  }
0x7b: {  	_ =	shalt  }
0x7c: {  	_ =	shalt  }
0x7d: {  	_ =	shalt  }
0x7e: {  	_ =	shalt  }
0x7f: {  	_ =	shalt  }
0x80: {  	_ =	shalt  }
0x81: {  	_ =	shalt  }
0x82: {  	_ =	shalt  }
0x83: {  	_ =	shalt  }
0x84: {  	_ =	shalt  }
0x85: {  	_ =	shalt  }
0x86: {  	_ =	shalt  }
0x87: {  	_ =	shalt  }
.Lfunc_end0:
.L_simem_size_0:
called_computation.2_lowered:
.L_overlay_start_0:
0x88: {  	s2 =	sld [smem:$0x3FD9]  }
0x89: {  	s3 =	sld [smem:$0x3FFE];
	_ =	sdelay $0x1  }
0x8a: {  	s1 =	srdreg.scid  }
0x8b: {  	s0 =	sand.u32 $0x1, s1  }
0x8c: {  	s17 =	sshll.u32 s0, $0xA;
	s2 =	sadd.s32 s3, s2  }
0x8d: {  	s2 =	sadd.s32 s2, s17  }
0x8e: {  	[smem:$0x3FBE] =	sst s2  }
0x8f: {  	_ = 	snop  }
0x90: {  	s2 =	sld [smem:$0x3FD0];
	(tm) =	ssettm $0x1  }
0x91: {  	s18 =	sld [smem:$0x3FFB];
	_ =	sdelay $0x3  }
0x92: {  	_ =	strace s18  }
0x93: {  	s3 =	sld [smem:$0x3FFC];
	_ =	sdelay $0x3  }
0x94: {  	_ =	strace s3  }
0x95: {  	s3 =	sld [smem:$0x3FFD];
	_ =	sdelay $0x3  }
0x96: {  	_ =	strace s3  }
0x97: {  	_ =	strace $0x8FFFFFFF  }
0x98: {  	s19 =	sld [smem:$0x3FDB];
	_ =	sdelay $0x1  }
0x99: {  	s4 =	simm.s32 $_scs_section_size  }
0x9a: {  	s5 =	simm.s32 $_size__tile_overlayer_lowered;
	s6 =	simm.s32 $_tile_overlayer_lowered  }
0x9b: {  	s22 =	simm.s32 $0x1BFF;
	s21 =	sshll.u32 s6, $0x1;
	s3 =	sadd.s32 s4, s19  }
0x9c: {  	s7 =	simm.s32 $0x0;
	s20 =	sshll.u32 s5, $0x1;
	s5 =	sadd.s32 s21, s3  }
0x9d: {  	[timem:s7], [sflag:s22] =	dma.local [hbm:s5], s20  }
0x9e: {  	_ =	swait.ge [sflag:s22], s20  }
0x9f: {  	s4 =	ssub.s32 $0x0, s20;
	[sflag:s22] =	ssyncset.done $0x0  }
0xa0: {  	[sflag:s22] =	ssyncadd.s32 s4;
	_ =	sdelay $0x1  }
0xa1: {  	s23 =	simm.s32 $0x1B8B  }
0xa2: {  	_ =	swait.ge [sflag:s23], $0x1  }
0xa3: {  	[sflag:s23] =	ssyncset.done $0x0  }
0xa4: {  	s25 =	simm.s32 $0x1B8E;
	s24 =	sld [smem:$0x3FFE];
	[sflag:s23] =	ssyncadd.s32 $0xFFFFFFFF  }
0xa5: {  	s26 =	simm.s32 $execute0_lowered;
	[smem:$0x3FD2] =	sst s25  }
0xa6: {  	s5 =	sshll.u32 s26, $0x1;
	_ =	strace $0x8000004C;
	[dreg:$0x1] =	wrdreg $0xFFFFFFFF  }
0xa7: {  	s28 =	simm.s32 $_size_execute0_lowered;
	s3 =	sadd.s32 s3, s5;
	[dreg:$0x0] =	wrdreg $0x0  }
0xa8: {  	s5 =	sshll.u32 s28, $0x1;
	[dreg:$0x2] =	wrdreg s3  }
0xa9: {  	[dreg:$0x3] =	wrdreg s5  }
0xaa: {  	[dreg:$0x4] =	wrdreg $0xC0  }
0xab: {  	_ =	task [dreg:s7], $0x5FFFF  }
0xac: {  	[dreg:$0x1] =	wrdreg $0xFFFFFFFF  }
0xad: {  	[dreg:$0x0] =	wrdreg $0x60  }
0xae: {  	[dreg:$0x2] =	wrdreg s24  }
0xaf: {  	[dreg:$0x3] =	wrdreg s2  }
0xb0: {  	[dreg:$0x4] =	wrdreg $0x9  }
0xb1: {  	_ =	task.clear_ibuf [dreg:s7], $0x5FFFF;
	_ =	strace $0x9000004C  }
0xb2: {  	s29 =	simm.s32 $0x9;
	_ =	strace $0x8000004E  }
0xb3: {  	_ =	swait.ge [sflag:s29], $0x1  }
0xb4: {  	[sflag:s29] =	ssyncadd.s32 $0xFFFFFFFF  }
0xb5: {  	_ =	strace $0x9000004E  }
0xb6: {  	_ =	sfence  }
0xb7: {  	s30 =	sld [smem:$0x0];
	_ =	sdelay $0x2  }
0xb8: {  	s31 =	sshll.u32 s1, $0xD;
	s1 =	sshrl.u32 s1, $0x2  }
0xb9: {  	s3 =	sand.u32 $0x4000, s31;
	s1 =	sadd.s32 s1, s30  }
0xba: {  	s0 =	sor.u32 s3, s0;
	s1 =	sshll.u32 s1, $0x11  }
0xbb: {  	s0 =	sor.u32 s1, s0  }
0xbc: {  	s0 =	sadd.s32 $0x8F2B, s0  }
0xbd: {  	[sflag:s0] =	ssyncadd.remote.s32 $0x1  }
0xbe: {  	_ =	sfence.sel $0xFFFF  }
0xbf: {  	[dreg:$0x0] =	wrdreg $0xFFFFFFFF;
	(pc) =	sbr.abs _section_cstart, $3  }
0xc0: {  	[dreg:$0x1] =	wrdreg $0xFFFFFFFF  }
0xc1: {  	_ =	task.clear_ibuf [dreg:s7], $0x2FFFF;
	_ =	strace $0x9FFFFFFF  }
0xc2: {  	(tm) =	ssettm $0x7FFFFFFF  }
0xc3: {  	_ =	shalt  }
tec
execute0_lowered:
.L_overlay_start_1:
0x0: {  	(tag) =	ssettag $0x1  }
0x1: {  	s6 =	rddreg [dreg:$0x0]  }
0x2: {  	s1 =	rddreg [dreg:$0x1]  }
0x3: {  	s0 =	rddreg [dreg:$0x2];
	s2 =	simm.s32 $0x0;
	s3 =	srdreg.scid  }
0x4: {  	s11 =	simm.s32 $0xE400;
	s12 =	simm.s32 $0x0;
	[smem:$0x7FF] =	sst s2  }
0x5: {  	s7 =	sand.u32 $0x1, s3;
	s4 =	sadd.s32 $0x1C00, s6;
	s3 =	stileid.u32  }
0x6: {  	s5 =	sadd.s32 $0x51C00, s6;
	s6 =	sadd.s32 $0x56C00, s6;
	s8 =	ssub.s32 $0x2, s7  }
0x7: {  	_ =	strace $0x8000004D;
	s10 =	sshll.u32 s3, $0x1;
	s9 =	sshrl.u32 s8, $0x1  }
0x8: {  	v0 =	vlaneseq.u32;
	s7 =	sor.u32 s7, s10;
	s10 =	simm.s32 $0xA000;
	s8 =	ssub.s32 s8, s9  }
0x9: {  	v0 =	vmul.u32 $0x10, v0;
	s7 =	smul.u32 $0x1400, s7;
	s9 =	simm.s32 $0x1;
	s8 =	smax.u32 s8, $0x1  }
.LBB2_1:
0xa: {  	[tilespmem:s2], [sflag:$0x1] =	stream.linear.gather [hbm4b:s1+s2], $0xA000, $0x38;
	[tilespmem:$0xE800] =	vst v63  }
0xb: {  	_ =	swait.ge [sflag:s9], $0xA000  }
0xc: {  	[sflag:s9] =	ssyncset.done $0x0  }
0xd: {  	s13 =	simm.s32 $0x0;
	[sflag:s9] =	ssyncadd.s32 $0xFFFF6000  }
.LBB2_2:
0xe: {  	s14 =	sshll.u32 s13, $0xA  }
0xf: {  	s15 =	sadd.s32 s7, s14  }
0x10: {  	s14 =	sshrl.u32 s15, $0x3  }
0x11: {  	s17 =	simm.s32 $0x0;
	s18 =	simm.s32 $0xE000;
	s16 =	sadd.s32 s5, s14  }
0x12: {  	[tilespmem:s18], [sflag:$0x1] =	stream.linear.gather [hbm4b:s16+s17], $0x400, $0x38;
	[tilespmem:$0xE800] =	vst v63  }
0x13: {  	_ =	swait.ge [sflag:s9], $0x400  }
0x14: {  	s15 =	sshll.u32 s15, $0x1;
	[sflag:s9] =	ssyncset.done $0x0  }
0x15: {  	s15 =	sadd.s32 s4, s15;
	[sflag:s9] =	ssyncadd.s32 $0xFFFFFC00  }
0x16: {  	[tilespmem:s10], [sflag:$0x1] =	stream.linear.gather [hbm4b:s15+s17], $0x4000, $0x38;
	[tilespmem:$0xE800] =	vst v63  }
0x17: {  	_ =	swait.ge [sflag:s9], $0x4000  }
0x18: {  	[sflag:s9] =	ssyncset.done $0x0  }
0x19: {  	[sflag:s9] =	ssyncadd.s32 $0xFFFFC000  }
0x1a: {  	v1 =	vld [tilespmem:s18+$0x0];
	_ =	sdelay $0x4  }
0x1b: {  	v1 =	vshll.u32 v1, $0x2;
	_ =	sdelay $0x2  }
0x1c: {  	v2 =	vor.u32 $0x1, v1;
	_ =	sdelay $0x1  }
0x1d: {  	v3 =	vor.u32 $0x2, v1;
	v4 =	vld.idx.msk [tilespmem:v1+s2+$0x0], $0xffff;
	_ =	sdelay $0x1  }
0x1e: {  	v1 =	vor.u32 $0x3, v1  }
0x1f: {  	v2 =	vld.idx.msk [tilespmem:v2+s2+$0x0], $0xffff;
	_ =	sdelay $0x1  }
0x20: {  	v5 =	vmov s17;
	v3 =	vld.idx.msk [tilespmem:v3+s2+$0x0], $0xffff;
	v4 =	vadd.f32 $9.999999970e-07, v4  }
0x21: {  	v5 =	vshll.u32 v5, $0x4  }
0x22: {  	v5 =	vor.u32 v0, v5;
	v1 =	vld.idx.msk [tilespmem:v1+s2+$0x0], $0xffff;
	(erf) = vrcp.f32 v4  }
0x23: {  	v2 =	vadd.f32 $9.999999970e-07, v2;
	_ =	sdelay $0x1  }
0x24: {  	v59 =	vor.u32 $0x1, v5;
	v3 =	vadd.f32 $9.999999970e-07, v3;
	(erf) = vrcp.f32 v2;
	_ =	sdelay $0x1  }
0x25: {  	v2 =	vor.u32 $0x2, v5;
	(erf) = vrcp.f32 v3;
	v3 =	vld.idx.msk [tilespmem:v5+s10+$0x0], $0xffff;
	v1 =	vadd.f32 $9.999999970e-07, v1;
	_ =	sdelay $0x1  }
0x26: {  	v5 =	vor.u32 $0x3, v5;
	(erf) = vrcp.f32 v1  }
0x27: {  	v1 =	vld.idx.msk [tilespmem:v59+s10+$0x0], $0xffff  }
0x28: {  	v60 =	vpop (erf)  }
0x29: {  	v2 =	vld.idx.msk [tilespmem:v2+s10+$0x0], $0xffff;
	v3 =	vmul.f32 v60, v3;
	_ =	sdelay $0x1  }
0x2a: {  	v61 =	vld.idx.msk [tilespmem:v5+s10+$0x0], $0xffff;
	v62 =	vpop (erf);
	v3 =	vadd.f32 $0.0e+00, v3  }
0x2b: {  	v1 =	vmul.f32 v62, v1  }
0x2c: {  	v63 =	vpop (erf)  }
0x2d: {  	v2 =	vmul.f32 v63, v2;
	v1 =	vadd.f32 v1, v3  }
0x2e: {  	v3 =	vpop (erf)  }
0x2f: {  	v1 =	vadd.f32 v2, v1;
	v2 =	vmul.f32 v3, v61;
	_ =	sdelay $0x1  }
0x30: {  	v1 =	vadd.f32 v2, v1;
	_ =	sdelay $0x1  }
0x31: {  	v1 =	vmul.f32 $2.500000000e-01, v1  }
0x32: {  	s15 =	simm.s32 $0xE400  }
0x33: {  	s17 =	simm.s32 $0xE010;
	[tilespmem:s15+$0x0] =	vst v1  }
0x34: {  	s16 =	simm.s32 $0x10;
	s18 =	simm.s32 $0x20;
	v1 =	vld [tilespmem:s17+$0x0]  }
.LBB2_3:
0x35: {  	p0 =	sne.s32 s18, $0x3F0;
	_ =	sdelay $0x3  }
0x36: {  	v1 =	vshll.u32 v1, $0x2;
	_ =	sdelay $0x1  }
0x37: {  	v2 =	vor.u32 $0x1, v1;
	_ =	sdelay $0x1  }
0x38: {  	v3 =	vor.u32 $0x2, v1  }
0x39: {  	v4 =	vld.idx.msk [tilespmem:v1+s2+$0x0], $0xffff  }
0x3a: {  	v1 =	vor.u32 $0x3, v1  }
0x3b: {  	v2 =	vld.idx.msk [tilespmem:v2+s2+$0x0], $0xffff;
	_ =	sdelay $0x1  }
0x3c: {  	v3 =	vld.idx.msk [tilespmem:v3+s2+$0x0], $0xffff  }
0x3d: {  	v5 =	vmov s16;
	s16 =	smov.u32 s18  }
0x3e: {  	v5 =	vshll.u32 v5, $0x4;
	v4 =	vadd.f32 $9.999999970e-07, v4;
	v1 =	vld.idx.msk [tilespmem:v1+s2+$0x0], $0xffff  }
0x3f: {  	v5 =	vor.u32 v0, v5  }
0x40: {  	v2 =	vadd.f32 $9.999999970e-07, v2;
	(erf) = vrcp.f32 v4  }
0x41: {  	v4 =	vor.u32 $0x1, v5  }
0x42: {  	v3 =	vadd.f32 $9.999999970e-07, v3;
	(erf) = vrcp.f32 v2  }
0x43: {  	v2 =	vor.u32 $0x2, v5  }
0x44: {  	v1 =	vadd.f32 $9.999999970e-07, v1;
	v6 =	vld.idx.msk [tilespmem:v5+s10+$0x0], $0xffff;
	(erf) = vrcp.f32 v3  }
0x45: {  	v3 =	vor.u32 $0x3, v5  }
0x46: {  	v4 =	vld.idx.msk [tilespmem:v4+s10+$0x0], $0xffff;
	(erf) = vrcp.f32 v1;
	_ =	sdelay $0x1  }
0x47: {  	v1 =	vld.idx.msk [tilespmem:v2+s10+$0x0], $0xffff  }
0x48: {  	v2 =	vpop (erf)  }
0x49: {  	v2 =	vmul.f32 v2, v6;
	v3 =	vld.idx.msk [tilespmem:v3+s10+$0x0], $0xffff  }
0x4a: {  	v5 =	vpop (erf)  }
0x4b: {  	v2 =	vadd.f32 $0.0e+00, v2;
	v6 =	vmul.f32 v5, v4  }
0x4c: {  	v5 =	vpop (erf)  }
0x4d: {  	v2 =	vadd.f32 v6, v2;
	v1 =	vmul.f32 v5, v1  }
0x4e: {  	v4 =	vpop (erf)  }
0x4f: {  	v1 =	vadd.f32 v1, v2;
	v2 =	vmul.f32 v4, v3;
	_ =	sdelay $0x1  }
0x50: {  	v1 =	vadd.f32 v2, v1  }
.Ltmp0:
0x51: {  	(pc) =	sbr.rel @p0 .LBB2_3-.Ltmp0, $4  }
0x52: {  	v1 =	vmul.f32 $2.500000000e-01, v1  }
0x53: {  	s15 =	sadd.s32 $0x10, s15  }
0x54: {  	s17 =	sadd.s32 $0x10, s17;
	[tilespmem:s15+$0x0] =	vst v1  }
0x55: {  	s18 =	sadd.s32 $0x10, s18;
	v1 =	vld [tilespmem:s17+$0x0]  }
0x56: {  	_ =	sdelay $0x3  }
0x57: {  	v1 =	vshll.u32 v1, $0x2;
	_ =	sdelay $0x2  }
0x58: {  	v2 =	vor.u32 $0x1, v1;
	_ =	sdelay $0x1  }
0x59: {  	v3 =	vor.u32 $0x2, v1;
	v4 =	vld.idx.msk [tilespmem:v1+s2+$0x0], $0xffff;
	_ =	sdelay $0x1  }
0x5a: {  	v1 =	vor.u32 $0x3, v1  }
0x5b: {  	v2 =	vld.idx.msk [tilespmem:v2+s2+$0x0], $0xffff;
	_ =	sdelay $0x1  }
0x5c: {  	v5 =	vmov s16;
	v3 =	vld.idx.msk [tilespmem:v3+s2+$0x0], $0xffff;
	v4 =	vadd.f32 $9.999999970e-07, v4  }
0x5d: {  	v5 =	vshll.u32 v5, $0x4  }
0x5e: {  	v5 =	vor.u32 v0, v5;
	v1 =	vld.idx.msk [tilespmem:v1+s2+$0x0], $0xffff;
	(erf) = vrcp.f32 v4  }
0x5f: {  	v2 =	vadd.f32 $9.999999970e-07, v2;
	_ =	sdelay $0x1  }
0x60: {  	v59 =	vor.u32 $0x1, v5;
	v3 =	vadd.f32 $9.999999970e-07, v3;
	(erf) = vrcp.f32 v2;
	_ =	sdelay $0x1  }
0x61: {  	v2 =	vor.u32 $0x2, v5;
	(erf) = vrcp.f32 v3;
	v3 =	vld.idx.msk [tilespmem:v5+s10+$0x0], $0xffff;
	v1 =	vadd.f32 $9.999999970e-07, v1;
	_ =	sdelay $0x1  }
0x62: {  	v5 =	vor.u32 $0x3, v5;
	(erf) = vrcp.f32 v1  }
0x63: {  	v1 =	vld.idx.msk [tilespmem:v59+s10+$0x0], $0xffff  }
0x64: {  	v60 =	vpop (erf)  }
0x65: {  	v2 =	vld.idx.msk [tilespmem:v2+s10+$0x0], $0xffff;
	v3 =	vmul.f32 v60, v3;
	_ =	sdelay $0x1  }
0x66: {  	v61 =	vld.idx.msk [tilespmem:v5+s10+$0x0], $0xffff;
	v62 =	vpop (erf);
	v3 =	vadd.f32 $0.0e+00, v3  }
0x67: {  	v1 =	vmul.f32 v62, v1  }
0x68: {  	v63 =	vpop (erf)  }
0x69: {  	v2 =	vmul.f32 v63, v2;
	v1 =	vadd.f32 v1, v3  }
0x6a: {  	v3 =	vpop (erf)  }
0x6b: {  	v1 =	vadd.f32 v2, v1;
	v2 =	vmul.f32 v3, v61;
	_ =	sdelay $0x1  }
0x6c: {  	v1 =	vadd.f32 v2, v1;
	_ =	sdelay $0x1  }
0x6d: {  	s13 =	sadd.s32 $0x1, s13;
	v1 =	vmul.f32 $2.500000000e-01, v1  }
0x6e: {  	s15 =	sadd.s32 $0x10, s15;
	p0 =	sne.s32 s13, $0x5  }
.Ltmp1:
0x6f: {  	s14 =	sadd.s32 s6, s14;
	[tilespmem:s15+$0x0] =	vst v1;
	(pc) =	sbr.rel @p0 .LBB2_2-.Ltmp1, $4  }
0x70: {  	[hbm4b:s14+s2] =	stream.linear.scatter [tilespmem:s11], [sflag:$0x1], $0x400, $0x38;
	[tilespmem:$0xE800] =	vst v63  }
0x71: {  	_ =	swait.ge [sflag:s9], $0x400  }
0x72: {  	[sflag:s9] =	ssyncset.done $0x0  }
0x73: {  	[sflag:s9] =	ssyncadd.s32 $0xFFFFFC00  }
0x74: {  	s12 =	sadd.s32 $0x1, s12  }
0x75: {  	p0 =	sne.s32 s12, s8  }
.Ltmp2:
0x76: {  	_ = 	snop;
	(pc) =	sbr.rel @p0 .LBB2_1-.Ltmp2, $1  }
0x77: {  	_ =	sdelay $0x3  }
0x78: {  	_ =	sfence.sel $0x180000  }
0x79: {  	[bflag:$0x0] =	sbarrier.arrive $0xFFFF  }
0x7a: {  	p0 =	sne.s32 s3, $0x0;
	_ =	strace $0x9000004D  }
0x7b: {  	s0 =	sadd.s32 @!p0 $0x100000, s0;
	[bflag:$0x2] =	sbarrier.arrive $0xFFFF  }
0x7c: {  	[sflag:s0] =	ssyncadd.tile.s32 @!p0 $0x1;
	_ =	shalt  }
.Lfunc_end2:
_tile_overlayer_lowered:
.L_overlay_start_2:
0x7d: {  	(tag) =	ssettag $0x2  }
0x7e: {  	s0 =	rddreg [dreg:$0x0];
	s2 =	stileid.u32  }
0x7f: {  	s1 =	rddreg [dreg:$0x1];
	p0 =	sne.s32 s2, $0x0  }
0x80: {  	s3 =	rddreg [dreg:$0x2];
	[bflag:$0x3] =	sbarrier.arrive $0xFFFF;
	s2 =	simm.s32 @!p0 $0x1C01  }
0x81: {  	[timem:s3], [sflag:s2] =	dma.local @!p0 [hbm:s0], s1  }
0x82: {  	s0 =	simm.s32 @!p0 $0x1  }
0x83: {  	_ =	swait.ge @!p0 [sflag:s0], s1  }
0x84: {  	s1 =	ssub.s32 @!p0 $0x0, s1;
	[sflag:s0] =	ssyncset.done @!p0 $0x0  }
0x85: {  	[sflag:s0] =	ssyncadd.s32 @!p0 s1  }
0x86: {  	[bflag:$0x3] =	sbarrier.arrive $0xFFFF  }
0x87: {  	_ =	shalt  }

// kernel: kernel.6.cloned.1.call-start
scs
__scs_entry_jumppad:
0x0: {  	(pc) =	sbr.rel $0x88, $3  }
0x1: {  	(tag) =	ssettag $0x0;
	lr =	simm.s32 $0x1  }
0x2: {  	[smem:$0x3F97] =	sst lr;
	_ =	strace $0xD0000000  }
0x3: {  	_ = 	snop  }
0x4: {  	_ = 	snop  }
0x5: {  	_ = 	snop  }
0x6: {  	_ = 	snop  }
0x7: {  	_ = 	snop  }
__scs_overlays_trampoline_lowered:
0x8: {  	[smem:$0x3FA6] =	sst s0  }
0x9: {  	[smem:$0x3FA7] =	sst s1  }
0xa: {  	[smem:$0x3FA8] =	sst s2  }
0xb: {  	[smem:$0x3FA9] =	sst s3  }
0xc: {  	[smem:$0x3FAA] =	sst s4  }
0xd: {  	[smem:$0x3FAB] =	sst s5  }
0xe: {  	[smem:$0x3FAC] =	sst s6  }
0xf: {  	[smem:$0x3FAD] =	sst s7  }
0x10: {  	[smem:$0x3FAE] =	sst s8  }
0x11: {  	[smem:$0x3FAF] =	sst s9;
	s0 =	simm.s32 @!p0 $0x0  }
0x12: {  	s1 =	sld [smem:$0x3F95];
	s0 =	simm.s32 @p0 $0x1  }
0x13: {  	[smem:$0x3FB0] =	sst s0;
	s0 =	simm.s32 @!p1 $0x0  }
0x14: {  	s2 =	sld [smem:$0x3F94];
	s0 =	simm.s32 @p1 $0x1  }
0x15: {  	[smem:$0x3FB1] =	sst s0;
	s0 =	simm.s32 @!p2 $0x0  }
0x16: {  	s3 =	sld [smem:$0x3FDB];
	s0 =	simm.s32 @p2 $0x1  }
0x17: {  	s4 =	simm.s32 $0x1BF5;
	[smem:$0x3FB3] =	sst s0  }
0x18: {  	s0 =	sld [smem:$0x3F96];
	_ =	swait.ge [sflag:s4], $0x0  }
0x19: {  	s7 =	sld [smem:$0x3F97]  }
0x1a: {  	s8 =	sadd.s32 $0xFFFFE003, lr  }
0x1b: {  	s9 =	sadd.s32 $0xFFFFFEF7, lr;
	s5 =	simm.s32 $0xFFFFFFFF;
	p2 =	slt.u32 s8, $0xFFFFF086  }
0x1c: {  	p1 =	slt.u32 s9, $0xF7A;
	s5 =	simm.s32 @!p2 $0x0  }
0x1d: {  	s5 =	simm.s32 @p1 $0x1;
	p0 =	seq.s32 s7, s2  }
0x1e: {  	s7 =	smul.u32 @!p0 $0xF7A, s2;
	p2 =	seq.s32 @!p0 s5, $0x0  }
0x1f: {  	s9 =	smul.u32 $0xF7A, s1;
	s8 =	simm.s32 @!p0 $0x1BF5;
	p2 =	por !p2, p0  }
0x20: {  	[sflag:s8] =	ssyncset.s32 @!p0 $0xFFFFF086;
	s6 =	sadd.s32 @!p0 s3, s7;
	s7 =	simm.s32 @!p0 $0x108  }
0x21: {  	s3 =	sadd.s32 s3, s9;
	s6 =	sadd.s32 @!p0 $0x88, s6;
	s7 =	simm.s32 @p2 $0x1082  }
0x22: {  	[simem:s7], [sflag:s8] =	dma.local @!p0 [hbm:s6], $0xF7A  }
0x23: {  	s9 =	sor.u32 $0xD0000000, s2;
	s6 =	simm.s32 $0x108;
	_ =	swait.ge @!p0 [sflag:s8], $0x0  }
0x24: {  	s3 =	sadd.s32 $0x88, s3;
	s6 =	simm.s32 @!p1 $0x1082;
	[sflag:s4] =	ssyncset.s32 $0xFFFFF086  }
0x25: {  	[simem:s6], [sflag:s4] =	dma.local [hbm:s3], $0xF7A  }
0x26: {  	[smem:$0x3F97] =	sst s1;
	(tag) =	ssettag s2;
	_ =	strace s9  }
0x27: {  	s1 =	sld [smem:$0x3FA7]  }
0x28: {  	s2 =	sld [smem:$0x3FA8]  }
0x29: {  	s4 =	sld [smem:$0x3FAA]  }
0x2a: {  	p0 =	seq.s32 s5, $0x0;
	s5 =	sld [smem:$0x3FAB]  }
0x2b: {  	s6 =	sld [smem:$0x3FAC]  }
0x2c: {  	s7 =	sld [smem:$0x3FAD]  }
0x2d: {  	s3 =	simm.s32 $0x108;
	s8 =	sld [smem:$0x3FAE]  }
0x2e: {  	s3 =	simm.s32 @!p0 $0x1082;
	s9 =	sld [smem:$0x3FAF]  }
0x2f: {  	lr =	sadd.s32 s0, s3;
	s0 =	sld [smem:$0x3FA6]  }
0x30: {  	s3 =	sld [smem:$0x3FA9]  }
0x31: {  	[smem:$0x3FB2] =	sst s10  }
0x32: {  	s10 =	sld [smem:$0x3FB0];
	_ =	sdelay $0x3  }
0x33: {  	p0 =	seq.s32 s10, $0x1;
	s10 =	sld [smem:$0x3FB2];
	_ =	sdelay $0x3  }
0x34: {  	[smem:$0x3FB2] =	sst s10  }
0x35: {  	s10 =	sld [smem:$0x3FB1];
	_ =	sdelay $0x3  }
0x36: {  	p1 =	seq.s32 s10, $0x1;
	s10 =	sld [smem:$0x3FB2];
	_ =	sdelay $0x3  }
0x37: {  	[smem:$0x3FB2] =	sst s10  }
0x38: {  	s10 =	sld [smem:$0x3FB3]  }
0x39: {  	_ = 	snop;
	(pc) =	sbr.ind lr, $3  }
0x3a: {  	_ = 	snop  }
0x3b: {  	_ = 	snop  }
0x3c: {  	p2 =	seq.s32 s10, $0x1;
	s10 =	sld [smem:$0x3FB2]  }
0x3d: {  	_ =	shalt  }
0x3e: {  	_ =	shalt  }
0x3f: {  	_ =	shalt  }
0x40: {  	_ =	shalt  }
0x41: {  	_ =	shalt  }
0x42: {  	_ =	shalt  }
0x43: {  	_ =	shalt  }
0x44: {  	_ =	shalt  }
0x45: {  	_ =	shalt  }
0x46: {  	_ =	shalt  }
0x47: {  	_ =	shalt  }
0x48: {  	_ =	shalt  }
0x49: {  	_ =	shalt  }
0x4a: {  	_ =	shalt  }
0x4b: {  	_ =	shalt  }
0x4c: {  	_ =	shalt  }
0x4d: {  	_ =	shalt  }
0x4e: {  	_ =	shalt  }
0x4f: {  	_ =	shalt  }
0x50: {  	_ =	shalt  }
0x51: {  	_ =	shalt  }
0x52: {  	_ =	shalt  }
0x53: {  	_ =	shalt  }
0x54: {  	_ =	shalt  }
0x55: {  	_ =	shalt  }
0x56: {  	_ =	shalt  }
0x57: {  	_ =	shalt  }
0x58: {  	_ =	shalt  }
0x59: {  	_ =	shalt  }
0x5a: {  	_ =	shalt  }
0x5b: {  	_ =	shalt  }
0x5c: {  	_ =	shalt  }
0x5d: {  	_ =	shalt  }
0x5e: {  	_ =	shalt  }
0x5f: {  	_ =	shalt  }
0x60: {  	_ =	shalt  }
0x61: {  	_ =	shalt  }
0x62: {  	_ =	shalt  }
0x63: {  	_ =	shalt  }
0x64: {  	_ =	shalt  }
0x65: {  	_ =	shalt  }
0x66: {  	_ =	shalt  }
0x67: {  	_ =	shalt  }
0x68: {  	_ =	shalt  }
0x69: {  	_ =	shalt  }
0x6a: {  	_ =	shalt  }
0x6b: {  	_ =	shalt  }
0x6c: {  	_ =	shalt  }
0x6d: {  	_ =	shalt  }
0x6e: {  	_ =	shalt  }
0x6f: {  	_ =	shalt  }
0x70: {  	_ =	shalt  }
0x71: {  	_ =	shalt  }
0x72: {  	_ =	shalt  }
0x73: {  	_ =	shalt  }
0x74: {  	_ =	shalt  }
0x75: {  	_ =	shalt  }
0x76: {  	_ =	shalt  }
0x77: {  	_ =	shalt  }
0x78: {  	_ =	shalt  }
0x79: {  	_ =	shalt  }
0x7a: {  	_ =	shalt  }
0x7b: {  	_ =	shalt  }
0x7c: {  	_ =	shalt  }
0x7d: {  	_ =	shalt  }
0x7e: {  	_ =	shalt  }
0x7f: {  	_ =	shalt  }
0x80: {  	_ =	shalt  }
0x81: {  	_ =	shalt  }
0x82: {  	_ =	shalt  }
0x83: {  	_ =	shalt  }
0x84: {  	_ =	shalt  }
0x85: {  	_ =	shalt  }
0x86: {  	_ =	shalt  }
0x87: {  	_ =	shalt  }
.Lfunc_end0:
.L_simem_size_0:
called_computation_lowered:
.L_overlay_start_0:
0x88: {  	s2 =	sld [smem:$0x3FD9]  }
0x89: {  	s3 =	sld [smem:$0x3FFE];
	_ =	sdelay $0x1  }
0x8a: {  	s1 =	srdreg.scid  }
0x8b: {  	s0 =	sand.u32 $0x1, s1  }
0x8c: {  	s16 =	sshll.u32 s0, $0xA;
	s2 =	sadd.s32 s3, s2  }
0x8d: {  	s2 =	sadd.s32 s2, s16  }
0x8e: {  	[smem:$0x3FBE] =	sst s2  }
0x8f: {  	_ = 	snop  }
0x90: {  	(tm) =	ssettm $0x1  }
0x91: {  	s17 =	sld [smem:$0x3FFB];
	_ =	sdelay $0x3  }
0x92: {  	_ =	strace s17  }
0x93: {  	s2 =	sld [smem:$0x3FFC];
	_ =	sdelay $0x3  }
0x94: {  	_ =	strace s2  }
0x95: {  	s2 =	sld [smem:$0x3FFD];
	_ =	sdelay $0x3  }
0x96: {  	_ =	strace s2  }
0x97: {  	_ =	strace $0x8FFFFFFF  }
0x98: {  	s18 =	sld [smem:$0x3FDB];
	_ =	sdelay $0x1  }
0x99: {  	s19 =	simm.s32 $_scs_section_size  }
0x9a: {  	s4 =	simm.s32 $_size__tile_overlayer_lowered;
	s5 =	simm.s32 $_tile_overlayer_lowered  }
0x9b: {  	s22 =	simm.s32 $0x1BFF;
	s21 =	sshll.u32 s5, $0x1;
	s2 =	sadd.s32 s19, s18  }
0x9c: {  	s6 =	simm.s32 $0x0;
	s20 =	sshll.u32 s4, $0x1;
	s4 =	sadd.s32 s21, s2  }
0x9d: {  	[timem:s6], [sflag:s22] =	dma.local [hbm:s4], s20  }
0x9e: {  	_ =	swait.ge [sflag:s22], s20  }
0x9f: {  	s3 =	ssub.s32 $0x0, s20;
	[sflag:s22] =	ssyncset.done $0x0  }
0xa0: {  	[sflag:s22] =	ssyncadd.s32 s3;
	_ =	sdelay $0x1  }
0xa1: {  	s23 =	simm.s32 $0x1B8B  }
0xa2: {  	_ =	swait.ge [sflag:s23], $0x1  }
0xa3: {  	[sflag:s23] =	ssyncset.done $0x0  }
0xa4: {  	s25 =	simm.s32 $0x1B8E;
	s24 =	sld [smem:$0x3FFE];
	[sflag:s23] =	ssyncadd.s32 $0xFFFFFFFF  }
0xa5: {  	s26 =	simm.s32 $execute0_lowered;
	[smem:$0x3FD2] =	sst s25  }
0xa6: {  	s4 =	sshll.u32 s26, $0x1;
	_ =	strace $0x80000046;
	[dreg:$0x1] =	wrdreg $0xFFFFFFFF  }
0xa7: {  	s28 =	simm.s32 $_size_execute0_lowered;
	s2 =	sadd.s32 s2, s4;
	[dreg:$0x0] =	wrdreg $0x0  }
0xa8: {  	s4 =	sshll.u32 s28, $0x1;
	[dreg:$0x2] =	wrdreg s2  }
0xa9: {  	[dreg:$0x3] =	wrdreg s4  }
0xaa: {  	[dreg:$0x4] =	wrdreg $0xC0  }
0xab: {  	_ =	task [dreg:s6], $0x5FFFF  }
0xac: {  	[dreg:$0x1] =	wrdreg $0xFFFFFFFF  }
0xad: {  	[dreg:$0x0] =	wrdreg $0x60  }
0xae: {  	[dreg:$0x2] =	wrdreg s24  }
0xaf: {  	[dreg:$0x3] =	wrdreg $0x9  }
0xb0: {  	_ =	task.clear_ibuf [dreg:s6], $0x4FFFF;
	_ =	strace $0x90000046  }
0xb1: {  	s29 =	simm.s32 $0x9;
	_ =	strace $0x80000048  }
0xb2: {  	_ =	swait.ge [sflag:s29], $0x1  }
0xb3: {  	[sflag:s29] =	ssyncadd.s32 $0xFFFFFFFF  }
0xb4: {  	_ =	strace $0x90000048  }
0xb5: {  	_ =	sfence  }
0xb6: {  	s30 =	sld [smem:$0x0];
	_ =	sdelay $0x2  }
0xb7: {  	s31 =	sshll.u32 s1, $0xD;
	s1 =	sshrl.u32 s1, $0x2  }
0xb8: {  	s3 =	sand.u32 $0x4000, s31;
	s1 =	sadd.s32 s1, s30  }
0xb9: {  	s0 =	sor.u32 s3, s0;
	s1 =	sshll.u32 s1, $0x11  }
0xba: {  	s0 =	sor.u32 s1, s0  }
0xbb: {  	s0 =	sadd.s32 $0x8F2B, s0  }
0xbc: {  	[sflag:s0] =	ssyncadd.remote.s32 $0x1  }
0xbd: {  	_ =	sfence.sel $0xFFFF  }
0xbe: {  	[dreg:$0x0] =	wrdreg $0xFFFFFFFF;
	(pc) =	sbr.abs _section_cstart, $3  }
0xbf: {  	[dreg:$0x1] =	wrdreg $0xFFFFFFFF  }
0xc0: {  	_ =	task.clear_ibuf [dreg:s6], $0x2FFFF;
	_ =	strace $0x9FFFFFFF  }
0xc1: {  	(tm) =	ssettm $0x7FFFFFFF  }
tec
execute0_lowered:
.L_overlay_start_1:
0x0: {  	(tag) =	ssettag $0x1  }
0x1: {  	s5 =	rddreg [dreg:$0x0];
	s2 =	srdreg.scid  }
0x2: {  	s1 =	stileid.u32;
	s0 =	rddreg [dreg:$0x1];
	s10 =	simm.s32 $0x4400  }
0x3: {  	s11 =	simm.s32 $0x80;
	s4 =	sand.u32 $0x1, s2;
	s3 =	sshll.u32 s1, $0x1  }
0x4: {  	s2 =	simm.s32 $0x0;
	s29 =	sshrl.u32 s1, $0x2;
	s6 =	sor.u32 s4, s3  }
0x5: {  	[smem:$0x7FF] =	sst s2;
	s7 =	smul.u32 $0x50000, s29;
	s30 =	sshll.u32 s6, $0x7  }
0x6: {  	s3 =	sadd.s32 $0x1C00, s5;
	s31 =	ssub.s32 $0x2, s4;
	s8 =	sand.u32 $0x380, s30  }
0x7: {  	s4 =	sadd.s32 $0x51C00, s5;
	s9 =	sshrl.u32 s31, $0x1;
	s7 =	sor.u32 s7, s8  }
0x8: {  	_ =	strace $0x80000047;
	s8 =	ssub.s32 s31, s9;
	s7 =	sshrl.u32 s7, $0x3  }
0x9: {  	v1 =	vlaneseq.u32;
	s9 =	simm.s32 $0x400;
	s7 =	sadd.s32 s7, s5;
	s5 =	smul.u32 $0x1400, s6  }
0xa: {  	v0 =	vimm.f32 $0.0e+00;
	v1 =	vmul.u32 $0x10, v1;
	s6 =	sadd.s32 $0x56C00, s7;
	s7 =	smax.u32 s8, $0x1;
	s8 =	simm.s32 $0x1  }
.LBB2_1:
0xb: {  	s12 =	simm.s32 $0x40;
	s13 =	simm.s32 $0x0  }
.LBB2_2:
0xc: {  	p0 =	sne.s32 s12, $0x27FC0;
	[tilespmem:s13+$0x4400] =	vst v0;
	s13 =	smov.u32 s12;
	s12 =	sadd.s32 $0x40, s12  }
.Ltmp0:
0xd: {  	(pc) =	sbr.rel @p0 .LBB2_2-.Ltmp0, $2  }
0xe: {  	_ =	sdelay $0x2  }
0xf: {  	s13 =	sshra.s32 s13, $0x2  }
0x10: {  	[tilespmem:s13+$0x4400] =	vst v0;
	s12 =	simm.s32 $0x0;
	s13 =	simm.s32 $0x0  }
.LBB2_4:
0x11: {  	s14 =	sshll.u32 s13, $0xA  }
0x12: {  	s14 =	sadd.s32 s5, s14  }
0x13: {  	s15 =	sshrl.u32 s14, $0x3  }
0x14: {  	s15 =	sadd.s32 s4, s15  }
0x15: {  	[tilespmem:s12], [sflag:$0x1] =	stream.linear.gather [hbm4b:s15+s12], $0x400, $0x38;
	[tilespmem:$0xE400] =	vst v63  }
0x16: {  	_ =	swait.ge [sflag:s8], $0x400  }
0x17: {  	s14 =	sshll.u32 s14, $0x1;
	[sflag:s8] =	ssyncset.done $0x0  }
0x18: {  	s14 =	sadd.s32 s3, s14;
	[sflag:s8] =	ssyncadd.s32 $0xFFFFFC00  }
0x19: {  	[tilespmem:s9], [sflag:$0x1] =	stream.linear.gather [hbm4b:s14+s12], $0x4000, $0x38;
	[tilespmem:$0xE400] =	vst v63  }
0x1a: {  	_ =	swait.ge [sflag:s8], $0x4000  }
0x1b: {  	v2 =	vmov s12;
	[sflag:s8] =	ssyncset.done $0x0  }
0x1c: {  	v2 =	vshll.u32 v2, $0x4;
	[sflag:s8] =	ssyncadd.s32 $0xFFFFC000  }
0x1d: {  	v2 =	vor.u32 v1, v2;
	v3 =	vld [tilespmem:s12+$0x0];
	_ =	sdelay $0x4  }
0x1e: {  	v4 =	vld.idx.msk [tilespmem:v2+s9+$0x0], $0xffff;
	v3 =	vshll.u32 v3, $0x2  }
0x1f: {  	v5 =	vor.u32 $0x1, v2;
	_ =	sdelay $0x3  }
0x20: {  	[tilespmem:v3+s10+$0x0] =	vst.idx.add.f32.msk $0xffff, v4  }
0x21: {  	v4 =	vld.idx.msk [tilespmem:v5+s9+$0x0], $0xffff;
	v5 =	vor.u32 $0x1, v3  }
0x22: {  	v6 =	vor.u32 $0x2, v2;
	_ =	sdelay $0x3  }
0x23: {  	[tilespmem:v5+s10+$0x0] =	vst.idx.add.f32.msk $0xffff, v4  }
0x24: {  	v5 =	vor.u32 $0x2, v3;
	v4 =	vld.idx.msk [tilespmem:v6+s9+$0x0], $0xffff  }
0x25: {  	v2 =	vor.u32 $0x3, v2;
	_ =	sdelay $0x3  }
0x26: {  	[tilespmem:v5+s10+$0x0] =	vst.idx.add.f32.msk $0xffff, v4  }
0x27: {  	v3 =	vor.u32 $0x3, v3;
	v2 =	vld.idx.msk [tilespmem:v2+s9+$0x0], $0xffff  }
0x28: {  	s31 =	simm.s32 $0x10  }
0x29: {  	v4 =	vmov s31  }
0x2a: {  	s15 =	simm.s32 $0x0;
	s14 =	simm.s32 $0x20;
	v4 =	vshll.u32 v4, $0x4  }
.LBB2_5:
0x2b: {  	p0 =	sne.s32 s14, $0x3F0  }
0x2c: {  	v4 =	vor.u32 v1, v4;
	[tilespmem:v3+s10+$0x0] =	vst.idx.add.f32.msk $0xffff, v2;
	s15 =	sadd.s32 $0x10, s15;
	s16 =	smov.u32 s14;
	s14 =	sadd.s32 $0x10, s14  }
0x2d: {  	v2 =	vld [tilespmem:s15+$0x0];
	_ =	sdelay $0x3  }
0x2e: {  	v3 =	vld.idx.msk [tilespmem:v4+s9+$0x0], $0xffff  }
0x2f: {  	v5 =	vshll.u32 v2, $0x2  }
0x30: {  	v2 =	vor.u32 $0x1, v4;
	_ =	sdelay $0x3  }
0x31: {  	[tilespmem:v5+s10+$0x0] =	vst.idx.add.f32.msk $0xffff, v3  }
0x32: {  	v2 =	vld.idx.msk [tilespmem:v2+s9+$0x0], $0xffff  }
0x33: {  	v3 =	vor.u32 $0x1, v5  }
0x34: {  	v6 =	vor.u32 $0x2, v4;
	_ =	sdelay $0x3  }
0x35: {  	[tilespmem:v3+s10+$0x0] =	vst.idx.add.f32.msk $0xffff, v2  }
0x36: {  	v2 =	vld.idx.msk [tilespmem:v6+s9+$0x0], $0xffff  }
0x37: {  	v3 =	vor.u32 $0x2, v5  }
0x38: {  	v4 =	vor.u32 $0x3, v4;
	_ =	sdelay $0x3  }
0x39: {  	[tilespmem:v3+s10+$0x0] =	vst.idx.add.f32.msk $0xffff, v2  }
0x3a: {  	v2 =	vld.idx.msk [tilespmem:v4+s9+$0x0], $0xffff  }
.Ltmp1:
0x3b: {  	v3 =	vor.u32 $0x3, v5;
	(pc) =	sbr.rel @p0 .LBB2_5-.Ltmp1, $3  }
0x3c: {  	_ =	sdelay $0x1  }
0x3d: {  	v4 =	vmov s16  }
0x3e: {  	v4 =	vshll.u32 v4, $0x4  }
0x3f: {  	_ =	sdelay $0x3  }
0x40: {  	[tilespmem:v3+s10+$0x0] =	vst.idx.add.f32.msk $0xffff, v2;
	s14 =	sadd.s32 $0x10, s15  }
0x41: {  	v2 =	vor.u32 v1, v4;
	v3 =	vld [tilespmem:s14+$0x0];
	_ =	sdelay $0x4  }
0x42: {  	v4 =	vld.idx.msk [tilespmem:v2+s9+$0x0], $0xffff;
	v3 =	vshll.u32 v3, $0x2  }
0x43: {  	v5 =	vor.u32 $0x1, v2;
	_ =	sdelay $0x3  }
0x44: {  	[tilespmem:v3+s10+$0x0] =	vst.idx.add.f32.msk $0xffff, v4  }
0x45: {  	v62 =	vor.u32 $0x1, v3;
	v4 =	vld.idx.msk [tilespmem:v5+s9+$0x0], $0xffff  }
0x46: {  	v6 =	vor.u32 $0x2, v2;
	_ =	sdelay $0x3  }
0x47: {  	[tilespmem:v62+s10+$0x0] =	vst.idx.add.f32.msk $0xffff, v4  }
0x48: {  	v63 =	vor.u32 $0x2, v3;
	v4 =	vld.idx.msk [tilespmem:v6+s9+$0x0], $0xffff  }
0x49: {  	v2 =	vor.u32 $0x3, v2;
	_ =	sdelay $0x3  }
0x4a: {  	s13 =	sadd.s32 $0x1, s13;
	[tilespmem:v63+s10+$0x0] =	vst.idx.add.f32.msk $0xffff, v4  }
0x4b: {  	p0 =	sne.s32 s13, $0x5;
	v3 =	vor.u32 $0x3, v3;
	v2 =	vld.idx.msk [tilespmem:v2+s9+$0x0], $0xffff  }
.Ltmp2:
0x4c: {  	_ = 	snop;
	(pc) =	sbr.rel @p0 .LBB2_4-.Ltmp2, $2  }
0x4d: {  	_ =	sdelay $0x2  }
0x4e: {  	[tilespmem:v3+s10+$0x0] =	vst.idx.add.f32.msk $0xffff, v2  }
0x4f: {  	s2 =	sadd.s32 $0x1, s2  }
0x50: {  	p0 =	sne.s32 s2, s7  }
.Ltmp3:
0x51: {  	_ = 	snop;
	(pc) =	sbr.rel @p0 .LBB2_1-.Ltmp3, $4  }
0x52: {  	[hbm4b:s6+s11] =	stream.strided.scatter [tilespmem:s10], [sflag:$0x1], $0xA000, s9, s11, $0x38;
	[tilespmem:$0xE400] =	vst v63  }
0x53: {  	_ =	swait.ge [sflag:s8], $0xA000  }
0x54: {  	[sflag:s8] =	ssyncset.done $0x0  }
0x55: {  	[sflag:s8] =	ssyncadd.s32 $0xFFFF6000  }
0x56: {  	_ =	sfence.sel $0x180000  }
0x57: {  	[bflag:$0x0] =	sbarrier.arrive $0xFFFF  }
0x58: {  	p0 =	sne.s32 s1, $0x0;
	_ =	strace $0x90000047  }
0x59: {  	s0 =	sadd.s32 @!p0 $0x100000, s0;
	[bflag:$0x2] =	sbarrier.arrive $0xFFFF  }
0x5a: {  	[sflag:s0] =	ssyncadd.tile.s32 @!p0 $0x1;
	_ =	shalt  }
.Lfunc_end2:
_tile_overlayer_lowered:
.L_overlay_start_2:
0x5b: {  	(tag) =	ssettag $0x2  }
0x5c: {  	s0 =	rddreg [dreg:$0x0];
	s2 =	stileid.u32  }
0x5d: {  	s1 =	rddreg [dreg:$0x1];
	p0 =	sne.s32 s2, $0x0  }
0x5e: {  	s3 =	rddreg [dreg:$0x2];
	[bflag:$0x3] =	sbarrier.arrive $0xFFFF;
	s2 =	simm.s32 @!p0 $0x1C01  }
0x5f: {  	[timem:s3], [sflag:s2] =	dma.local @!p0 [hbm:s0], s1  }
0x60: {  	s0 =	simm.s32 @!p0 $0x1  }
0x61: {  	_ =	swait.ge @!p0 [sflag:s0], s1  }
0x62: {  	s1 =	ssub.s32 @!p0 $0x0, s1;
	[sflag:s0] =	ssyncset.done @!p0 $0x0  }
0x63: {  	[sflag:s0] =	ssyncadd.s32 @!p0 s1  }
0x64: {  	[bflag:$0x3] =	sbarrier.arrive $0xFFFF  }
0x65: {  	_ =	shalt  }

// kernel: kernel.9.cloned.1.call-start
scs
__scs_entry_jumppad:
0x0: {  	(pc) =	sbr.rel $0x88, $3  }
0x1: {  	(tag) =	ssettag $0x0;
	lr =	simm.s32 $0x1  }
0x2: {  	[smem:$0x3F97] =	sst lr;
	_ =	strace $0xD0000000  }
0x3: {  	_ = 	snop  }
0x4: {  	_ = 	snop  }
0x5: {  	_ = 	snop  }
0x6: {  	_ = 	snop  }
0x7: {  	_ = 	snop  }
__scs_overlays_trampoline_lowered:
0x8: {  	[smem:$0x3FA6] =	sst s0  }
0x9: {  	[smem:$0x3FA7] =	sst s1  }
0xa: {  	[smem:$0x3FA8] =	sst s2  }
0xb: {  	[smem:$0x3FA9] =	sst s3  }
0xc: {  	[smem:$0x3FAA] =	sst s4  }
0xd: {  	[smem:$0x3FAB] =	sst s5  }
0xe: {  	[smem:$0x3FAC] =	sst s6  }
0xf: {  	[smem:$0x3FAD] =	sst s7  }
0x10: {  	[smem:$0x3FAE] =	sst s8  }
0x11: {  	[smem:$0x3FAF] =	sst s9;
	s0 =	simm.s32 @!p0 $0x0  }
0x12: {  	s1 =	sld [smem:$0x3F95];
	s0 =	simm.s32 @p0 $0x1  }
0x13: {  	[smem:$0x3FB0] =	sst s0;
	s0 =	simm.s32 @!p1 $0x0  }
0x14: {  	s2 =	sld [smem:$0x3F94];
	s0 =	simm.s32 @p1 $0x1  }
0x15: {  	[smem:$0x3FB1] =	sst s0;
	s0 =	simm.s32 @!p2 $0x0  }
0x16: {  	s3 =	sld [smem:$0x3FDB];
	s0 =	simm.s32 @p2 $0x1  }
0x17: {  	s4 =	simm.s32 $0x1BF5;
	[smem:$0x3FB3] =	sst s0  }
0x18: {  	s0 =	sld [smem:$0x3F96];
	_ =	swait.ge [sflag:s4], $0x0  }
0x19: {  	s7 =	sld [smem:$0x3F97]  }
0x1a: {  	s8 =	sadd.s32 $0xFFFFE003, lr  }
0x1b: {  	s9 =	sadd.s32 $0xFFFFFEF7, lr;
	s5 =	simm.s32 $0xFFFFFFFF;
	p2 =	slt.u32 s8, $0xFFFFF086  }
0x1c: {  	p1 =	slt.u32 s9, $0xF7A;
	s5 =	simm.s32 @!p2 $0x0  }
0x1d: {  	s5 =	simm.s32 @p1 $0x1;
	p0 =	seq.s32 s7, s2  }
0x1e: {  	s7 =	smul.u32 @!p0 $0xF7A, s2;
	p2 =	seq.s32 @!p0 s5, $0x0  }
0x1f: {  	s9 =	smul.u32 $0xF7A, s1;
	s8 =	simm.s32 @!p0 $0x1BF5;
	p2 =	por !p2, p0  }
0x20: {  	[sflag:s8] =	ssyncset.s32 @!p0 $0xFFFFF086;
	s6 =	sadd.s32 @!p0 s3, s7;
	s7 =	simm.s32 @!p0 $0x108  }
0x21: {  	s3 =	sadd.s32 s3, s9;
	s6 =	sadd.s32 @!p0 $0x88, s6;
	s7 =	simm.s32 @p2 $0x1082  }
0x22: {  	[simem:s7], [sflag:s8] =	dma.local @!p0 [hbm:s6], $0xF7A  }
0x23: {  	s9 =	sor.u32 $0xD0000000, s2;
	s6 =	simm.s32 $0x108;
	_ =	swait.ge @!p0 [sflag:s8], $0x0  }
0x24: {  	s3 =	sadd.s32 $0x88, s3;
	s6 =	simm.s32 @!p1 $0x1082;
	[sflag:s4] =	ssyncset.s32 $0xFFFFF086  }
0x25: {  	[simem:s6], [sflag:s4] =	dma.local [hbm:s3], $0xF7A  }
0x26: {  	[smem:$0x3F97] =	sst s1;
	(tag) =	ssettag s2;
	_ =	strace s9  }
0x27: {  	s1 =	sld [smem:$0x3FA7]  }
0x28: {  	s2 =	sld [smem:$0x3FA8]  }
0x29: {  	s4 =	sld [smem:$0x3FAA]  }
0x2a: {  	p0 =	seq.s32 s5, $0x0;
	s5 =	sld [smem:$0x3FAB]  }
0x2b: {  	s6 =	sld [smem:$0x3FAC]  }
0x2c: {  	s7 =	sld [smem:$0x3FAD]  }
0x2d: {  	s3 =	simm.s32 $0x108;
	s8 =	sld [smem:$0x3FAE]  }
0x2e: {  	s3 =	simm.s32 @!p0 $0x1082;
	s9 =	sld [smem:$0x3FAF]  }
0x2f: {  	lr =	sadd.s32 s0, s3;
	s0 =	sld [smem:$0x3FA6]  }
0x30: {  	s3 =	sld [smem:$0x3FA9]  }
0x31: {  	[smem:$0x3FB2] =	sst s10  }
0x32: {  	s10 =	sld [smem:$0x3FB0];
	_ =	sdelay $0x3  }
0x33: {  	p0 =	seq.s32 s10, $0x1;
	s10 =	sld [smem:$0x3FB2];
	_ =	sdelay $0x3  }
0x34: {  	[smem:$0x3FB2] =	sst s10  }
0x35: {  	s10 =	sld [smem:$0x3FB1];
	_ =	sdelay $0x3  }
0x36: {  	p1 =	seq.s32 s10, $0x1;
	s10 =	sld [smem:$0x3FB2];
	_ =	sdelay $0x3  }
0x37: {  	[smem:$0x3FB2] =	sst s10  }
0x38: {  	s10 =	sld [smem:$0x3FB3]  }
0x39: {  	_ = 	snop;
	(pc) =	sbr.ind lr, $3  }
0x3a: {  	_ = 	snop  }
0x3b: {  	_ = 	snop  }
0x3c: {  	p2 =	seq.s32 s10, $0x1;
	s10 =	sld [smem:$0x3FB2]  }
0x3d: {  	_ =	shalt  }
0x3e: {  	_ =	shalt  }
0x3f: {  	_ =	shalt  }
0x40: {  	_ =	shalt  }
0x41: {  	_ =	shalt  }
0x42: {  	_ =	shalt  }
0x43: {  	_ =	shalt  }
0x44: {  	_ =	shalt  }
0x45: {  	_ =	shalt  }
0x46: {  	_ =	shalt  }
0x47: {  	_ =	shalt  }
0x48: {  	_ =	shalt  }
0x49: {  	_ =	shalt  }
0x4a: {  	_ =	shalt  }
0x4b: {  	_ =	shalt  }
0x4c: {  	_ =	shalt  }
0x4d: {  	_ =	shalt  }
0x4e: {  	_ =	shalt  }
0x4f: {  	_ =	shalt  }
0x50: {  	_ =	shalt  }
0x51: {  	_ =	shalt  }
0x52: {  	_ =	shalt  }
0x53: {  	_ =	shalt  }
0x54: {  	_ =	shalt  }
0x55: {  	_ =	shalt  }
0x56: {  	_ =	shalt  }
0x57: {  	_ =	shalt  }
0x58: {  	_ =	shalt  }
0x59: {  	_ =	shalt  }
0x5a: {  	_ =	shalt  }
0x5b: {  	_ =	shalt  }
0x5c: {  	_ =	shalt  }
0x5d: {  	_ =	shalt  }
0x5e: {  	_ =	shalt  }
0x5f: {  	_ =	shalt  }
0x60: {  	_ =	shalt  }
0x61: {  	_ =	shalt  }
0x62: {  	_ =	shalt  }
0x63: {  	_ =	shalt  }
0x64: {  	_ =	shalt  }
0x65: {  	_ =	shalt  }
0x66: {  	_ =	shalt  }
0x67: {  	_ =	shalt  }
0x68: {  	_ =	shalt  }
0x69: {  	_ =	shalt  }
0x6a: {  	_ =	shalt  }
0x6b: {  	_ =	shalt  }
0x6c: {  	_ =	shalt  }
0x6d: {  	_ =	shalt  }
0x6e: {  	_ =	shalt  }
0x6f: {  	_ =	shalt  }
0x70: {  	_ =	shalt  }
0x71: {  	_ =	shalt  }
0x72: {  	_ =	shalt  }
0x73: {  	_ =	shalt  }
0x74: {  	_ =	shalt  }
0x75: {  	_ =	shalt  }
0x76: {  	_ =	shalt  }
0x77: {  	_ =	shalt  }
0x78: {  	_ =	shalt  }
0x79: {  	_ =	shalt  }
0x7a: {  	_ =	shalt  }
0x7b: {  	_ =	shalt  }
0x7c: {  	_ =	shalt  }
0x7d: {  	_ =	shalt  }
0x7e: {  	_ =	shalt  }
0x7f: {  	_ =	shalt  }
0x80: {  	_ =	shalt  }
0x81: {  	_ =	shalt  }
0x82: {  	_ =	shalt  }
0x83: {  	_ =	shalt  }
0x84: {  	_ =	shalt  }
0x85: {  	_ =	shalt  }
0x86: {  	_ =	shalt  }
0x87: {  	_ =	shalt  }
.Lfunc_end0:
.L_simem_size_0:
called_computation.1_lowered:
.L_overlay_start_0:
0x88: {  	s2 =	sld [smem:$0x3FD9]  }
0x89: {  	s3 =	sld [smem:$0x3FFE];
	_ =	sdelay $0x1  }
0x8a: {  	s1 =	srdreg.scid  }
0x8b: {  	s0 =	sand.u32 $0x1, s1  }
0x8c: {  	s17 =	sshll.u32 s0, $0xA;
	s2 =	sadd.s32 s3, s2  }
0x8d: {  	s2 =	sadd.s32 s2, s17  }
0x8e: {  	[smem:$0x3FBE] =	sst s2  }
0x8f: {  	_ = 	snop  }
0x90: {  	s2 =	sld [smem:$0x3FD0];
	(tm) =	ssettm $0x1  }
0x91: {  	s18 =	sld [smem:$0x3FFB];
	_ =	sdelay $0x3  }
0x92: {  	_ =	strace s18  }
0x93: {  	s3 =	sld [smem:$0x3FFC];
	_ =	sdelay $0x3  }
0x94: {  	_ =	strace s3  }
0x95: {  	s3 =	sld [smem:$0x3FFD];
	_ =	sdelay $0x3  }
0x96: {  	_ =	strace s3  }
0x97: {  	_ =	strace $0x8FFFFFFF  }
0x98: {  	s19 =	sld [smem:$0x3FDB];
	_ =	sdelay $0x1  }
0x99: {  	s4 =	simm.s32 $_scs_section_size  }
0x9a: {  	s5 =	simm.s32 $_size__tile_overlayer_lowered;
	s6 =	simm.s32 $_tile_overlayer_lowered  }
0x9b: {  	s22 =	simm.s32 $0x1BFF;
	s21 =	sshll.u32 s6, $0x1;
	s3 =	sadd.s32 s4, s19  }
0x9c: {  	s7 =	simm.s32 $0x0;
	s20 =	sshll.u32 s5, $0x1;
	s5 =	sadd.s32 s21, s3  }
0x9d: {  	[timem:s7], [sflag:s22] =	dma.local [hbm:s5], s20  }
0x9e: {  	_ =	swait.ge [sflag:s22], s20  }
0x9f: {  	s4 =	ssub.s32 $0x0, s20;
	[sflag:s22] =	ssyncset.done $0x0  }
0xa0: {  	[sflag:s22] =	ssyncadd.s32 s4;
	_ =	sdelay $0x1  }
0xa1: {  	s23 =	simm.s32 $0x1B8B  }
0xa2: {  	_ =	swait.ge [sflag:s23], $0x1  }
0xa3: {  	[sflag:s23] =	ssyncset.done $0x0  }
0xa4: {  	s25 =	simm.s32 $0x1B8E;
	s24 =	sld [smem:$0x3FFE];
	[sflag:s23] =	ssyncadd.s32 $0xFFFFFFFF  }
0xa5: {  	s26 =	simm.s32 $execute0_lowered;
	[smem:$0x3FD2] =	sst s25  }
0xa6: {  	s5 =	sshll.u32 s26, $0x1;
	_ =	strace $0x80000049;
	[dreg:$0x1] =	wrdreg $0xFFFFFFFF  }
0xa7: {  	s28 =	simm.s32 $_size_execute0_lowered;
	s3 =	sadd.s32 s3, s5;
	[dreg:$0x0] =	wrdreg $0x0  }
0xa8: {  	s5 =	sshll.u32 s28, $0x1;
	[dreg:$0x2] =	wrdreg s3  }
0xa9: {  	[dreg:$0x3] =	wrdreg s5  }
0xaa: {  	[dreg:$0x4] =	wrdreg $0xC0  }
0xab: {  	_ =	task [dreg:s7], $0x5FFFF  }
0xac: {  	[dreg:$0x1] =	wrdreg $0xFFFFFFFF  }
0xad: {  	[dreg:$0x0] =	wrdreg $0x60  }
0xae: {  	[dreg:$0x2] =	wrdreg s24  }
0xaf: {  	[dreg:$0x3] =	wrdreg s2  }
0xb0: {  	[dreg:$0x4] =	wrdreg $0x9  }
0xb1: {  	_ =	task.clear_ibuf [dreg:s7], $0x5FFFF;
	_ =	strace $0x90000049  }
0xb2: {  	s29 =	simm.s32 $0x9;
	_ =	strace $0x8000004B  }
0xb3: {  	_ =	swait.ge [sflag:s29], $0x1  }
0xb4: {  	[sflag:s29] =	ssyncadd.s32 $0xFFFFFFFF  }
0xb5: {  	_ =	strace $0x9000004B  }
0xb6: {  	_ =	sfence  }
0xb7: {  	s30 =	sld [smem:$0x0];
	_ =	sdelay $0x2  }
0xb8: {  	s31 =	sshll.u32 s1, $0xD;
	s1 =	sshrl.u32 s1, $0x2  }
0xb9: {  	s3 =	sand.u32 $0x4000, s31;
	s1 =	sadd.s32 s1, s30  }
0xba: {  	s0 =	sor.u32 s3, s0;
	s1 =	sshll.u32 s1, $0x11  }
0xbb: {  	s0 =	sor.u32 s1, s0  }
0xbc: {  	s0 =	sadd.s32 $0x8F2B, s0  }
0xbd: {  	[sflag:s0] =	ssyncadd.remote.s32 $0x1  }
0xbe: {  	_ =	sfence.sel $0xFFFF  }
0xbf: {  	[dreg:$0x0] =	wrdreg $0xFFFFFFFF;
	(pc) =	sbr.abs _section_cstart, $3  }
0xc0: {  	[dreg:$0x1] =	wrdreg $0xFFFFFFFF  }
0xc1: {  	_ =	task.clear_ibuf [dreg:s7], $0x2FFFF;
	_ =	strace $0x9FFFFFFF  }
0xc2: {  	(tm) =	ssettm $0x7FFFFFFF  }
0xc3: {  	_ =	shalt  }
tec
execute0_lowered:
.L_overlay_start_1:
0x0: {  	(tag) =	ssettag $0x1  }
0x1: {  	s1 =	srdreg.scid;
	s3 =	rddreg [dreg:$0x0]  }
0x2: {  	s0 =	stileid.u32;
	s5 =	rddreg [dreg:$0x1]  }
0x3: {  	s2 =	simm.s32 $0x0;
	s4 =	sand.u32 $0x1, s1;
	s30 =	sshll.u32 s0, $0x1  }
0x4: {  	s8 =	simm.s32 $0x1;
	s9 =	simm.s32 $0xA000;
	s6 =	sor.u32 s4, s30  }
0x5: {  	s10 =	simm.s32 $0x0;
	s1 =	rddreg [dreg:$0x2];
	s7 =	smul.u32 $0x500, s6  }
0x6: {  	[smem:$0x7FF] =	sst s2;
	s4 =	ssub.s32 $0x2, s4;
	s6 =	smul.u32 $0xA0, s6  }
0x7: {  	_ =	strace $0x8000004A;
	s31 =	sshrl.u32 s4, $0x1;
	s3 =	sadd.s32 s7, s3  }
0x8: {  	s7 =	ssub.s32 s4, s31;
	s4 =	sadd.s32 s5, s6;
	s6 =	simm.s32 $0x2800  }
0x9: {  	s3 =	sadd.s32 $0x56C00, s3;
	s5 =	smax.u32 s7, $0x1;
	s7 =	simm.s32 $0x50000  }
.LBB2_1:
0xa: {  	[tilespmem:s2], [sflag:$0x1] =	stream.strided.gather [hbm4b:s3+s6], $0xA000, s7, s6, $0x38;
	[tilespmem:$0xA500] =	vst v63  }
0xb: {  	_ =	swait.ge [sflag:s8], $0xA000  }
0xc: {  	s11 =	sand.u32 $0x70, s2;
	s12 =	sand.u32 $0x3C00, s2;
	[sflag:s8] =	ssyncset.done $0x0  }
0xd: {  	s11 =	sor.u32 s11, s12;
	[sflag:s8] =	ssyncadd.s32 $0xFFFF6000  }
0xe: {  	v0 =	vld [tilespmem:s11+$0x80]  }
0xf: {  	v1 =	vld [tilespmem:s11+$0x0];
	_ =	sdelay $0x1  }
0x10: {  	v2 =	vld [tilespmem:s11+$0x100];
	_ =	sdelay $0x1  }
0x11: {  	v3 =	vld [tilespmem:s11+$0x180]  }
0x12: {  	v0 =	vadd.f32 v0, v1  }
0x13: {  	v36 =	vld [tilespmem:s11+$0x200]  }
0x14: {  	v0 =	vadd.f32 v2, v0  }
0x15: {  	v37 =	vld [tilespmem:s11+$0x280]  }
0x16: {  	v0 =	vadd.f32 v3, v0  }
0x17: {  	v38 =	vld [tilespmem:s11+$0x300]  }
0x18: {  	v0 =	vadd.f32 v36, v0  }
0x19: {  	v39 =	vld [tilespmem:s11+$0x380]  }
0x1a: {  	v0 =	vadd.f32 v37, v0  }
0x1b: {  	v40 =	vld [tilespmem:s11+$0x2800]  }
0x1c: {  	v0 =	vadd.f32 v38, v0  }
0x1d: {  	v41 =	vld [tilespmem:s11+$0x2880]  }
0x1e: {  	v0 =	vadd.f32 v39, v0  }
0x1f: {  	v42 =	vld [tilespmem:s11+$0x2900]  }
0x20: {  	v0 =	vadd.f32 v40, v0  }
0x21: {  	v43 =	vld [tilespmem:s11+$0x2980]  }
0x22: {  	v0 =	vadd.f32 v41, v0  }
0x23: {  	v44 =	vld [tilespmem:s11+$0x2A00]  }
0x24: {  	v0 =	vadd.f32 v42, v0  }
0x25: {  	v45 =	vld [tilespmem:s11+$0x2A80]  }
0x26: {  	v0 =	vadd.f32 v43, v0  }
0x27: {  	v46 =	vld [tilespmem:s11+$0x2B00]  }
0x28: {  	v0 =	vadd.f32 v44, v0  }
0x29: {  	v47 =	vld [tilespmem:s11+$0x2B80]  }
0x2a: {  	v0 =	vadd.f32 v45, v0  }
0x2b: {  	v48 =	vld [tilespmem:s11+$0x5000]  }
0x2c: {  	v0 =	vadd.f32 v46, v0  }
0x2d: {  	v49 =	vld [tilespmem:s11+$0x5080]  }
0x2e: {  	v0 =	vadd.f32 v47, v0  }
0x2f: {  	v50 =	vld [tilespmem:s11+$0x5100]  }
0x30: {  	v0 =	vadd.f32 v48, v0  }
0x31: {  	v51 =	vld [tilespmem:s11+$0x5180]  }
0x32: {  	v0 =	vadd.f32 v49, v0  }
0x33: {  	v52 =	vld [tilespmem:s11+$0x5200]  }
0x34: {  	v0 =	vadd.f32 v50, v0  }
0x35: {  	v53 =	vld [tilespmem:s11+$0x5280]  }
0x36: {  	v0 =	vadd.f32 v51, v0  }
0x37: {  	v54 =	vld [tilespmem:s11+$0x5300]  }
0x38: {  	v0 =	vadd.f32 v52, v0  }
0x39: {  	v55 =	vld [tilespmem:s11+$0x5380]  }
0x3a: {  	v0 =	vadd.f32 v53, v0  }
0x3b: {  	v56 =	vld [tilespmem:s11+$0x7800]  }
0x3c: {  	v0 =	vadd.f32 v54, v0  }
0x3d: {  	v57 =	vld [tilespmem:s11+$0x7880]  }
0x3e: {  	v0 =	vadd.f32 v55, v0  }
0x3f: {  	v58 =	vld [tilespmem:s11+$0x7900]  }
0x40: {  	v0 =	vadd.f32 v56, v0  }
0x41: {  	v59 =	vld [tilespmem:s11+$0x7980]  }
0x42: {  	v0 =	vadd.f32 v57, v0  }
0x43: {  	v60 =	vld [tilespmem:s11+$0x7A00]  }
0x44: {  	v0 =	vadd.f32 v58, v0  }
0x45: {  	v61 =	vld [tilespmem:s11+$0x7A80]  }
0x46: {  	v0 =	vadd.f32 v59, v0  }
0x47: {  	v62 =	vld [tilespmem:s11+$0x7B00]  }
0x48: {  	v0 =	vadd.f32 v60, v0  }
0x49: {  	v63 =	vld [tilespmem:s11+$0x7B80]  }
0x4a: {  	v0 =	vadd.f32 v61, v0;
	_ =	sdelay $0x1  }
0x4b: {  	v0 =	vadd.f32 v62, v0;
	_ =	sdelay $0x1  }
0x4c: {  	s30 =	simm.s32 $0x10;
	s13 =	simm.s32 $0x80;
	v0 =	vadd.f32 v63, v0  }
0x4d: {  	s31 =	sand.u32 $0x3C00, s13;
	s11 =	sand.u32 $0x70, s30  }
0x4e: {  	s14 =	simm.s32 $0x20;
	s12 =	sor.u32 s11, s31;
	s11 =	simm.s32 $0xA000;
	[tilespmem:s9+$0x0] =	vst v0  }
.LBB2_2:
0x4f: {  	p0 =	sne.s32 s14, $0x4F0;
	v0 =	vld [tilespmem:s12+$0x80]  }
0x50: {  	v1 =	vld [tilespmem:s12+$0x0];
	_ =	sdelay $0x1  }
0x51: {  	v2 =	vld [tilespmem:s12+$0x100];
	_ =	sdelay $0x1  }
0x52: {  	v3 =	vld [tilespmem:s12+$0x180]  }
0x53: {  	v0 =	vadd.f32 v0, v1  }
0x54: {  	v1 =	vld [tilespmem:s12+$0x200]  }
0x55: {  	v0 =	vadd.f32 v2, v0  }
0x56: {  	v2 =	vld [tilespmem:s12+$0x280]  }
0x57: {  	v0 =	vadd.f32 v3, v0  }
0x58: {  	v3 =	vld [tilespmem:s12+$0x300]  }
0x59: {  	v0 =	vadd.f32 v1, v0  }
0x5a: {  	v1 =	vld [tilespmem:s12+$0x380]  }
0x5b: {  	v0 =	vadd.f32 v2, v0  }
0x5c: {  	v2 =	vld [tilespmem:s12+$0x2800]  }
0x5d: {  	v0 =	vadd.f32 v3, v0  }
0x5e: {  	v3 =	vld [tilespmem:s12+$0x2880]  }
0x5f: {  	v0 =	vadd.f32 v1, v0  }
0x60: {  	v1 =	vld [tilespmem:s12+$0x2900]  }
0x61: {  	v0 =	vadd.f32 v2, v0  }
0x62: {  	v2 =	vld [tilespmem:s12+$0x2980]  }
0x63: {  	v0 =	vadd.f32 v3, v0  }
0x64: {  	v3 =	vld [tilespmem:s12+$0x2A00]  }
0x65: {  	v0 =	vadd.f32 v1, v0  }
0x66: {  	v1 =	vld [tilespmem:s12+$0x2A80]  }
0x67: {  	v0 =	vadd.f32 v2, v0  }
0x68: {  	v2 =	vld [tilespmem:s12+$0x2B00]  }
0x69: {  	v0 =	vadd.f32 v3, v0  }
0x6a: {  	v3 =	vld [tilespmem:s12+$0x2B80]  }
0x6b: {  	v0 =	vadd.f32 v1, v0  }
0x6c: {  	v1 =	vld [tilespmem:s12+$0x5000]  }
0x6d: {  	v0 =	vadd.f32 v2, v0  }
0x6e: {  	v2 =	vld [tilespmem:s12+$0x5080]  }
0x6f: {  	v0 =	vadd.f32 v3, v0  }
0x70: {  	v3 =	vld [tilespmem:s12+$0x5100]  }
0x71: {  	v0 =	vadd.f32 v1, v0  }
0x72: {  	v1 =	vld [tilespmem:s12+$0x5180]  }
0x73: {  	v0 =	vadd.f32 v2, v0  }
0x74: {  	v2 =	vld [tilespmem:s12+$0x5200]  }
0x75: {  	v0 =	vadd.f32 v3, v0  }
0x76: {  	v3 =	vld [tilespmem:s12+$0x5280]  }
0x77: {  	v0 =	vadd.f32 v1, v0  }
0x78: {  	v1 =	vld [tilespmem:s12+$0x5300]  }
0x79: {  	v0 =	vadd.f32 v2, v0  }
0x7a: {  	v2 =	vld [tilespmem:s12+$0x5380]  }
0x7b: {  	v0 =	vadd.f32 v3, v0  }
0x7c: {  	v3 =	vld [tilespmem:s12+$0x7800]  }
0x7d: {  	v0 =	vadd.f32 v1, v0  }
0x7e: {  	v1 =	vld [tilespmem:s12+$0x7880]  }
0x7f: {  	v0 =	vadd.f32 v2, v0  }
0x80: {  	v2 =	vld [tilespmem:s12+$0x7900]  }
0x81: {  	v0 =	vadd.f32 v3, v0  }
0x82: {  	v3 =	vld [tilespmem:s12+$0x7980]  }
0x83: {  	v0 =	vadd.f32 v1, v0  }
0x84: {  	v1 =	vld [tilespmem:s12+$0x7A00]  }
0x85: {  	v0 =	vadd.f32 v2, v0  }
0x86: {  	v2 =	vld [tilespmem:s12+$0x7A80]  }
0x87: {  	v0 =	vadd.f32 v3, v0  }
0x88: {  	v3 =	vld [tilespmem:s12+$0x7B00]  }
0x89: {  	v0 =	vadd.f32 v1, v0  }
0x8a: {  	v1 =	vld [tilespmem:s12+$0x7B80]  }
0x8b: {  	v0 =	vadd.f32 v2, v0;
	_ =	sdelay $0x1  }
.Ltmp0:
0x8c: {  	v0 =	vadd.f32 v3, v0;
	(pc) =	sbr.rel @p0 .LBB2_2-.Ltmp0, $4  }
0x8d: {  	_ = 	snop  }
0x8e: {  	s13 =	sadd.s32 $0x80, s13;
	v0 =	vadd.f32 v1, v0  }
0x8f: {  	s11 =	sadd.s32 $0x10, s11;
	s15 =	sand.u32 $0x3C00, s13;
	s12 =	sand.u32 $0x70, s14  }
0x90: {  	s14 =	sadd.s32 $0x10, s14;
	s12 =	sor.u32 s12, s15;
	[tilespmem:s11+$0x0] =	vst v0  }
0x91: {  	v0 =	vld [tilespmem:s12+$0x80]  }
0x92: {  	v1 =	vld [tilespmem:s12+$0x0];
	_ =	sdelay $0x1  }
0x93: {  	v2 =	vld [tilespmem:s12+$0x100];
	_ =	sdelay $0x1  }
0x94: {  	v3 =	vld [tilespmem:s12+$0x180]  }
0x95: {  	v0 =	vadd.f32 v0, v1  }
0x96: {  	v36 =	vld [tilespmem:s12+$0x200]  }
0x97: {  	v0 =	vadd.f32 v2, v0  }
0x98: {  	v37 =	vld [tilespmem:s12+$0x280]  }
0x99: {  	v0 =	vadd.f32 v3, v0  }
0x9a: {  	v38 =	vld [tilespmem:s12+$0x300]  }
0x9b: {  	v0 =	vadd.f32 v36, v0  }
0x9c: {  	v39 =	vld [tilespmem:s12+$0x380]  }
0x9d: {  	v0 =	vadd.f32 v37, v0  }
0x9e: {  	v40 =	vld [tilespmem:s12+$0x2800]  }
0x9f: {  	v0 =	vadd.f32 v38, v0  }
0xa0: {  	v41 =	vld [tilespmem:s12+$0x2880]  }
0xa1: {  	v0 =	vadd.f32 v39, v0  }
0xa2: {  	v42 =	vld [tilespmem:s12+$0x2900]  }
0xa3: {  	v0 =	vadd.f32 v40, v0  }
0xa4: {  	v43 =	vld [tilespmem:s12+$0x2980]  }
0xa5: {  	v0 =	vadd.f32 v41, v0  }
0xa6: {  	v44 =	vld [tilespmem:s12+$0x2A00]  }
0xa7: {  	v0 =	vadd.f32 v42, v0  }
0xa8: {  	v45 =	vld [tilespmem:s12+$0x2A80]  }
0xa9: {  	v0 =	vadd.f32 v43, v0  }
0xaa: {  	v46 =	vld [tilespmem:s12+$0x2B00]  }
0xab: {  	v0 =	vadd.f32 v44, v0  }
0xac: {  	v47 =	vld [tilespmem:s12+$0x2B80]  }
0xad: {  	v0 =	vadd.f32 v45, v0  }
0xae: {  	v48 =	vld [tilespmem:s12+$0x5000]  }
0xaf: {  	v0 =	vadd.f32 v46, v0  }
0xb0: {  	v49 =	vld [tilespmem:s12+$0x5080]  }
0xb1: {  	v0 =	vadd.f32 v47, v0  }
0xb2: {  	v50 =	vld [tilespmem:s12+$0x5100]  }
0xb3: {  	v0 =	vadd.f32 v48, v0  }
0xb4: {  	v51 =	vld [tilespmem:s12+$0x5180]  }
0xb5: {  	v0 =	vadd.f32 v49, v0  }
0xb6: {  	v52 =	vld [tilespmem:s12+$0x5200]  }
0xb7: {  	v0 =	vadd.f32 v50, v0  }
0xb8: {  	v53 =	vld [tilespmem:s12+$0x5280]  }
0xb9: {  	v0 =	vadd.f32 v51, v0  }
0xba: {  	v54 =	vld [tilespmem:s12+$0x5300]  }
0xbb: {  	v0 =	vadd.f32 v52, v0  }
0xbc: {  	v55 =	vld [tilespmem:s12+$0x5380]  }
0xbd: {  	v0 =	vadd.f32 v53, v0  }
0xbe: {  	v56 =	vld [tilespmem:s12+$0x7800]  }
0xbf: {  	v0 =	vadd.f32 v54, v0  }
0xc0: {  	v57 =	vld [tilespmem:s12+$0x7880]  }
0xc1: {  	v0 =	vadd.f32 v55, v0  }
0xc2: {  	v58 =	vld [tilespmem:s12+$0x7900]  }
0xc3: {  	v0 =	vadd.f32 v56, v0  }
0xc4: {  	v59 =	vld [tilespmem:s12+$0x7980]  }
0xc5: {  	v0 =	vadd.f32 v57, v0  }
0xc6: {  	v60 =	vld [tilespmem:s12+$0x7A00]  }
0xc7: {  	v0 =	vadd.f32 v58, v0  }
0xc8: {  	v61 =	vld [tilespmem:s12+$0x7A80]  }
0xc9: {  	v0 =	vadd.f32 v59, v0  }
0xca: {  	v62 =	vld [tilespmem:s12+$0x7B00]  }
0xcb: {  	v0 =	vadd.f32 v60, v0  }
0xcc: {  	v63 =	vld [tilespmem:s12+$0x7B80]  }
0xcd: {  	v0 =	vadd.f32 v61, v0;
	_ =	sdelay $0x1  }
0xce: {  	v0 =	vadd.f32 v62, v0;
	_ =	sdelay $0x1  }
0xcf: {  	s10 =	sadd.s32 $0x1, s10;
	v0 =	vadd.f32 v63, v0  }
0xd0: {  	s11 =	sadd.s32 $0x10, s11;
	p0 =	sne.s32 s10, s5  }
.Ltmp1:
0xd1: {  	[tilespmem:s11+$0x0] =	vst v0;
	(pc) =	sbr.rel @p0 .LBB2_1-.Ltmp1, $4  }
0xd2: {  	[hbm4b:s4+s2] =	stream.linear.scatter [tilespmem:s9], [sflag:$0x1], $0x500, $0x38;
	[tilespmem:$0xA500] =	vst v63  }
0xd3: {  	_ =	swait.ge [sflag:s8], $0x500  }
0xd4: {  	[sflag:s8] =	ssyncset.done $0x0  }
0xd5: {  	[sflag:s8] =	ssyncadd.s32 $0xFFFFFB00  }
0xd6: {  	_ =	sfence.sel $0x180000  }
0xd7: {  	[bflag:$0x0] =	sbarrier.arrive $0xFFFF  }
0xd8: {  	p0 =	sne.s32 s0, $0x0;
	_ =	strace $0x9000004A  }
0xd9: {  	s0 =	sadd.s32 @!p0 $0x100000, s1;
	[bflag:$0x2] =	sbarrier.arrive $0xFFFF  }
0xda: {  	[sflag:s0] =	ssyncadd.tile.s32 @!p0 $0x1;
	_ =	shalt  }
.Lfunc_end2:
_tile_overlayer_lowered:
.L_overlay_start_2:
0xdb: {  	(tag) =	ssettag $0x2  }
0xdc: {  	s0 =	rddreg [dreg:$0x0];
	s2 =	stileid.u32  }
0xdd: {  	s1 =	rddreg [dreg:$0x1];
	p0 =	sne.s32 s2, $0x0  }
0xde: {  	s3 =	rddreg [dreg:$0x2];
	[bflag:$0x3] =	sbarrier.arrive $0xFFFF;
	s2 =	simm.s32 @!p0 $0x1C01  }
0xdf: {  	[timem:s3], [sflag:s2] =	dma.local @!p0 [hbm:s0], s1  }
0xe0: {  	s0 =	simm.s32 @!p0 $0x1  }
0xe1: {  	_ =	swait.ge @!p0 [sflag:s0], s1  }
0xe2: {  	s1 =	ssub.s32 @!p0 $0x0, s1;
	[sflag:s0] =	ssyncset.done @!p0 $0x0  }
0xe3: {  	[sflag:s0] =	ssyncadd.s32 @!p0 s1  }
0xe4: {  	[bflag:$0x3] =	sbarrier.arrive $0xFFFF  }
0xe5: {  	_ =	shalt  }

</sc_bundles>
